<compile_context>
chip_gen: v7x
topology: tpu7x:2x2x1
jax: 0.10.2.dev20260603
libtpu: 0.0.44.dev20260713+nightly
codegen_flags: <defaults>
</compile_context>

<pallas_src>
import functools

import jax
import jax.numpy as jnp
from jax import lax
from jax.experimental import pallas as pl
from jax.experimental.pallas import tpu as pltpu
from jax.experimental.pallas import tpu_sc as plsc

_NUM_CORES = 2
_NUM_SUBCORES = 16
_NUM_WORKERS = _NUM_CORES * _NUM_SUBCORES

_BATCH = 16384
_DIM = 64
_CBLK = 128
_ROWS_PER_W = _BATCH // _NUM_WORKERS
_LANES = 16
_RING = 4


def _sgat(ref, k):
    return plsc.load_gather(ref, [jnp.full((_LANES,), k, jnp.int32)])[0]


def _gather_body(
    bl_h, si_h, ks_h, ke_h, bc_h, tt_hbm, outs_hbm,
    bl_v, si_v, ks_v, ke_v, bc_v, ring_v, dst_v, sem0, sem1,
):
    wid = lax.axis_index("s") * _NUM_CORES + lax.axis_index("c")
    pltpu.sync_copy(bl_h.at[wid], bl_v)
    pltpu.sync_copy(si_h.at[wid], si_v)
    pltpu.sync_copy(ks_h.at[wid], ks_v)
    pltpu.sync_copy(ke_h.at[wid], ke_v)
    pltpu.sync_copy(bc_h.at[wid], bc_v)
    bc = bc_v[...][0]

    def fire(j, sem):
        bj = _sgat(bl_v, j)
        pltpu.async_copy(
            tt_hbm.at[:, pl.ds(bj * _CBLK, _CBLK)], ring_v.at[j & 3], sem
        )

    def drain(sem):
        pltpu.make_async_copy(
            tt_hbm.at[:, pl.ds(0, _CBLK)], ring_v.at[0], sem
        ).wait()

    fire(0, sem0)

    @pl.when(1 < bc)
    def _():
        fire(1, sem1)

    def body(j, carry):
        @pl.when(jnp.logical_and(j + 2 < bc, ((j + 2) & 1) == 0))
        def _():
            fire(j + 2, sem0)

        @pl.when(jnp.logical_and(j + 2 < bc, ((j + 2) & 1) == 1))
        def _():
            fire(j + 2, sem1)

        @pl.when((j & 1) == 0)
        def _():
            drain(sem0)

        @pl.when((j & 1) == 1)
        def _():
            drain(sem1)

        ks = _sgat(ks_v, j)
        ke = _sgat(ke_v, j)

        def cbody(k, c2):
            i = _sgat(si_v, k)
            cols = jnp.full((_LANES,), i & (_CBLK - 1), jnp.int32)
            for q in range(_DIM // _LANES):
                rows = lax.iota(jnp.int32, _LANES) + q * _LANES
                v = plsc.load_gather(ring_v.at[j & 3], [rows, cols])
                dst_v[k, pl.ds(q * _LANES, _LANES)] = v
            return c2

        lax.fori_loop(ks, ke, cbody, 0)
        return carry

    lax.fori_loop(0, bc, body, 0)
    pltpu.sync_copy(dst_v, outs_hbm.at[wid])


@jax.jit
def _sc_gather(blist, silist, kst, ken, bcnt, tt):
    mesh = plsc.VectorSubcoreMesh(core_axis_name="c", subcore_axis_name="s")
    call = functools.partial(
        pl.kernel,
        mesh=mesh,
        out_type=jax.ShapeDtypeStruct(
            (_NUM_WORKERS, _ROWS_PER_W, _DIM), jnp.float32
        ),
        scratch_types=[
            pltpu.VMEM((_ROWS_PER_W,), jnp.int32),
            pltpu.VMEM((_ROWS_PER_W,), jnp.int32),
            pltpu.VMEM((_ROWS_PER_W,), jnp.int32),
            pltpu.VMEM((_ROWS_PER_W,), jnp.int32),
            pltpu.VMEM((_LANES,), jnp.int32),
            pltpu.VMEM((_RING, _DIM, _CBLK), jnp.float32),
            pltpu.VMEM((_ROWS_PER_W, _DIM), jnp.float32),
            pltpu.SemaphoreType.DMA,
            pltpu.SemaphoreType.DMA,
        ],
        compiler_params=pltpu.CompilerParams(
            use_tc_tiling_on_sc=True, needs_layout_passes=False
        ),
    )(_gather_body)
    return call(blist, silist, kst, ken, bcnt, tt)


def _unperm_body(ordr_hbm, src_hbm, out_hbm, idx_v, rows_v, sem):
    wid = lax.axis_index("s") * _NUM_CORES + lax.axis_index("c")
    pltpu.sync_copy(ordr_hbm.at[wid], idx_v)
    pltpu.sync_copy(src_hbm.at[wid], rows_v)
    copies = [
        pltpu.async_copy(rows_v.at[j], out_hbm.at[idx_v.at[j]], sem)
        for j in range(4)
    ]
    for c in copies:
        c.wait()


@jax.jit
def _sc_unpermute(ordr, src):
    mesh = plsc.VectorSubcoreMesh(core_axis_name="c", subcore_axis_name="s")
    call = functools.partial(
        pl.kernel,
        mesh=mesh,
        out_type=jax.ShapeDtypeStruct((_BATCH, _DIM), jnp.float32),
        scratch_types=[
            pltpu.VMEM((4, 128), jnp.int32),
            pltpu.VMEM((4, 128, _DIM), jnp.float32),
            pltpu.SemaphoreType.DMA,
        ],
        compiler_params=pltpu.CompilerParams(use_tc_tiling_on_sc=False),
    )(_unperm_body)
    return call(ordr, src)


def kernel(indices, table):
    idx32 = indices.astype(jnp.int32)
    pos = jnp.arange(_BATCH, dtype=jnp.int32)

    packed = jnp.sort((idx32 >> 7) * _BATCH + pos)
    order = packed & (_BATCH - 1)
    si = idx32[order]
    b = packed >> 14
    pit = pos & (_ROWS_PER_W - 1)
    tile = pos >> 9
    newb = (b != jnp.roll(b, 1)) | (pit == 0)
    slot2 = jnp.cumsum(
        newb.reshape(_NUM_WORKERS, _ROWS_PER_W), axis=1
    ).astype(jnp.int32) - 1
    bcount = slot2[:, -1:] + 1

    jj = jnp.arange(_ROWS_PER_W, dtype=jnp.int32)
    kst = jnp.sum(slot2[:, :, None] < jj[None, None, :], axis=1, dtype=jnp.int32)
    ken = jnp.sum(slot2[:, :, None] <= jj[None, None, :], axis=1, dtype=jnp.int32)
    b2 = b.reshape(_NUM_WORKERS, _ROWS_PER_W)
    blist = jnp.take_along_axis(b2, jnp.clip(kst, 0, _ROWS_PER_W - 1), axis=1)
    bcnt = jnp.pad(bcount, ((0, 0), (0, _LANES - 1)))
    silist = si.reshape(_NUM_WORKERS, _ROWS_PER_W)

    out_sorted = _sc_gather(blist, silist, kst, ken, bcnt, table.T)

    final = _sc_unpermute(
        order.reshape(_NUM_WORKERS, 4, 128),
        out_sorted.reshape(_NUM_WORKERS, 4, 128, _DIM),
    )
    return final

# --- scband reference (transcript-rebuilt; emitter-appended) ---
"""Pipeline reference for scband-learnable-class-prompt-39092792328917 (READ-ONLY COPY).

The authoritative reference and input builder live on the scoring server;
editing this copy changes nothing except your own understanding.
"""

import jax, jax.numpy as jnp
import numpy as np

NUM_CLASSES = 1000000
EMBED_DIM = 64
BATCH = 16384


def setup_inputs(seed: int = 0) -> dict:
    key = jax.random.key(seed)
    k_idx, k_tab = jax.random.split(key)
    indices = jax.random.randint(k_idx, (BATCH,), 0, NUM_CLASSES + 1, dtype=jnp.int64 if jax.config.jax_enable_x64 else jnp.int32)
    # nn.Embedding default init: N(0, 1)
    table = jax.random.normal(k_tab, (NUM_CLASSES + 1, EMBED_DIM), dtype=jnp.float32)
    return {"indices": indices, "table": table}


def reference(indices, table):
    # LearnableClassPrompt.class_embedder(indices) -> embedding lookup
    return jnp.take(table, indices, axis=0)

if __name__ == "__main__":
    import jax
    _d = setup_inputs()
    print(jax.jit(kernel)(*tuple(_d.values())))

</pallas_src>

<mosaic_0001>
#map = affine_map<(d0, d1) -> (0, 0)>
#map1 = affine_map<(d0, d1) -> (0, 0, 0)>
module attributes {stable_mosaic.version = 14 : i64} {
  func.func @_gather_body(%arg0: i32, %arg1: i32, %arg2: memref<32x512xi32, #tpu.memory_space<hbm>>, %arg3: memref<32x512xi32, #tpu.memory_space<hbm>>, %arg4: memref<32x512xi32, #tpu.memory_space<hbm>>, %arg5: memref<32x512xi32, #tpu.memory_space<hbm>>, %arg6: memref<32x16xi32, #tpu.memory_space<hbm>>, %arg7: memref<64x1000001xf32, #tpu.memory_space<hbm>>, %arg8: memref<32x512x64xf32, #tpu.memory_space<hbm>>, %arg9: memref<512xi32, #tpu.memory_space<vmem>>, %arg10: memref<512xi32, #tpu.memory_space<vmem>>, %arg11: memref<512xi32, #tpu.memory_space<vmem>>, %arg12: memref<512xi32, #tpu.memory_space<vmem>>, %arg13: memref<16xi32, #tpu.memory_space<vmem>>, %arg14: memref<4x64x128xf32, #tpu.memory_space<vmem>>, %arg15: memref<512x64xf32, #tpu.memory_space<vmem>>, %arg16: memref<!tpu.dma_semaphore, #tpu.memory_space<semaphore_mem>>, %arg17: memref<!tpu.dma_semaphore, #tpu.memory_space<semaphore_mem>>) attributes {dimension_semantics = [#tpu.dimension_semantics<core_parallel>, #tpu.dimension_semantics<subcore_parallel>], iteration_bounds = array<i64: 2, 16>, scalar_prefetch = 0 : i64, scratch_operands = 9 : i64, tpu.core_type = #tpu.core_type<sc_vector_subcore>, window_params = [{transform_indices = #map}, {transform_indices = #map}, {transform_indices = #map}, {transform_indices = #map}, {transform_indices = #map}, {transform_indices = #map}, {transform_indices = #map1}]} {
    %mul3A = arith.constant 2 : i32
    %mul3A_0 = arith.muli %arg1, %mul3A : i32
    %add3A = arith.addi %mul3A_0, %arg0 : i32
    "tpu.region"() ({
      %run_scoped3A = tpu.sem_alloc : memref<!tpu.dma_semaphore, #tpu.memory_space<semaphore_mem>>
      %dma_start3A_30 = arith.constant 0 : i32
      %dma_start3A_31 = tpu.memref_slice %arg2[%add3A, %dma_start3A_30] : memref<32x512xi32, #tpu.memory_space<hbm>> -> memref<1x512xi32, #tpu.memory_space<hbm>>
      %dma_start3A_32 = tpu.memref_squeeze %dma_start3A_31 : memref<1x512xi32, #tpu.memory_space<hbm>> -> memref<512xi32, #tpu.memory_space<hbm>>
      %dma_start3A_33 = arith.constant 0 : i32
      %dma_start3A_34 = tpu.memref_slice %arg2[%add3A, %dma_start3A_33] : memref<32x512xi32, #tpu.memory_space<hbm>> -> memref<1x512xi32, #tpu.memory_space<hbm>>
      %dma_start3A_35 = tpu.memref_squeeze %dma_start3A_34 : memref<1x512xi32, #tpu.memory_space<hbm>> -> memref<512xi32, #tpu.memory_space<hbm>>
      tpu.enqueue_dma source(%dma_start3A_35 : memref<512xi32, #tpu.memory_space<hbm>>) target(%arg9 : memref<512xi32, #tpu.memory_space<vmem>>) target_semaphore(%run_scoped3A : memref<!tpu.dma_semaphore, #tpu.memory_space<semaphore_mem>>)
      %dma_wait3A = arith.constant 0 : i32
      %dma_wait3A_36 = tpu.memref_slice %arg2[%add3A, %dma_wait3A] : memref<32x512xi32, #tpu.memory_space<hbm>> -> memref<1x512xi32, #tpu.memory_space<hbm>>
      %dma_wait3A_37 = tpu.memref_squeeze %dma_wait3A_36 : memref<1x512xi32, #tpu.memory_space<hbm>> -> memref<512xi32, #tpu.memory_space<hbm>>
      %dma_wait3A_38 = arith.constant 0 : i32
      %dma_wait3A_39 = tpu.memref_slice %arg2[%add3A, %dma_wait3A_38] : memref<32x512xi32, #tpu.memory_space<hbm>> -> memref<1x512xi32, #tpu.memory_space<hbm>>
      %dma_wait3A_40 = tpu.memref_squeeze %dma_wait3A_39 : memref<1x512xi32, #tpu.memory_space<hbm>> -> memref<512xi32, #tpu.memory_space<hbm>>
      tpu.wait_dma2 semaphore(%run_scoped3A : memref<!tpu.dma_semaphore, #tpu.memory_space<semaphore_mem>>) src(%dma_wait3A_40 : memref<512xi32, #tpu.memory_space<hbm>>) dst(%arg9 : memref<512xi32, #tpu.memory_space<vmem>>)
      tpu.yield
    }) : () -> ()
    "tpu.region"() ({
      %run_scoped3A = tpu.sem_alloc : memref<!tpu.dma_semaphore, #tpu.memory_space<semaphore_mem>>
      %dma_start3A_30 = arith.constant 0 : i32
      %dma_start3A_31 = tpu.memref_slice %arg3[%add3A, %dma_start3A_30] : memref<32x512xi32, #tpu.memory_space<hbm>> -> memref<1x512xi32, #tpu.memory_space<hbm>>
      %dma_start3A_32 = tpu.memref_squeeze %dma_start3A_31 : memref<1x512xi32, #tpu.memory_space<hbm>> -> memref<512xi32, #tpu.memory_space<hbm>>
      %dma_start3A_33 = arith.constant 0 : i32
      %dma_start3A_34 = tpu.memref_slice %arg3[%add3A, %dma_start3A_33] : memref<32x512xi32, #tpu.memory_space<hbm>> -> memref<1x512xi32, #tpu.memory_space<hbm>>
      %dma_start3A_35 = tpu.memref_squeeze %dma_start3A_34 : memref<1x512xi32, #tpu.memory_space<hbm>> -> memref<512xi32, #tpu.memory_space<hbm>>
      tpu.enqueue_dma source(%dma_start3A_35 : memref<512xi32, #tpu.memory_space<hbm>>) target(%arg10 : memref<512xi32, #tpu.memory_space<vmem>>) target_semaphore(%run_scoped3A : memref<!tpu.dma_semaphore, #tpu.memory_space<semaphore_mem>>)
      %dma_wait3A = arith.constant 0 : i32
      %dma_wait3A_36 = tpu.memref_slice %arg3[%add3A, %dma_wait3A] : memref<32x512xi32, #tpu.memory_space<hbm>> -> memref<1x512xi32, #tpu.memory_space<hbm>>
      %dma_wait3A_37 = tpu.memref_squeeze %dma_wait3A_36 : memref<1x512xi32, #tpu.memory_space<hbm>> -> memref<512xi32, #tpu.memory_space<hbm>>
      %dma_wait3A_38 = arith.constant 0 : i32
      %dma_wait3A_39 = tpu.memref_slice %arg3[%add3A, %dma_wait3A_38] : memref<32x512xi32, #tpu.memory_space<hbm>> -> memref<1x512xi32, #tpu.memory_space<hbm>>
      %dma_wait3A_40 = tpu.memref_squeeze %dma_wait3A_39 : memref<1x512xi32, #tpu.memory_space<hbm>> -> memref<512xi32, #tpu.memory_space<hbm>>
      tpu.wait_dma2 semaphore(%run_scoped3A : memref<!tpu.dma_semaphore, #tpu.memory_space<semaphore_mem>>) src(%dma_wait3A_40 : memref<512xi32, #tpu.memory_space<hbm>>) dst(%arg10 : memref<512xi32, #tpu.memory_space<vmem>>)
      tpu.yield
    }) : () -> ()
    "tpu.region"() ({
      %run_scoped3A = tpu.sem_alloc : memref<!tpu.dma_semaphore, #tpu.memory_space<semaphore_mem>>
      %dma_start3A_30 = arith.constant 0 : i32
      %dma_start3A_31 = tpu.memref_slice %arg4[%add3A, %dma_start3A_30] : memref<32x512xi32, #tpu.memory_space<hbm>> -> memref<1x512xi32, #tpu.memory_space<hbm>>
      %dma_start3A_32 = tpu.memref_squeeze %dma_start3A_31 : memref<1x512xi32, #tpu.memory_space<hbm>> -> memref<512xi32, #tpu.memory_space<hbm>>
      %dma_start3A_33 = arith.constant 0 : i32
      %dma_start3A_34 = tpu.memref_slice %arg4[%add3A, %dma_start3A_33] : memref<32x512xi32, #tpu.memory_space<hbm>> -> memref<1x512xi32, #tpu.memory_space<hbm>>
      %dma_start3A_35 = tpu.memref_squeeze %dma_start3A_34 : memref<1x512xi32, #tpu.memory_space<hbm>> -> memref<512xi32, #tpu.memory_space<hbm>>
      tpu.enqueue_dma source(%dma_start3A_35 : memref<512xi32, #tpu.memory_space<hbm>>) target(%arg11 : memref<512xi32, #tpu.memory_space<vmem>>) target_semaphore(%run_scoped3A : memref<!tpu.dma_semaphore, #tpu.memory_space<semaphore_mem>>)
      %dma_wait3A = arith.constant 0 : i32
      %dma_wait3A_36 = tpu.memref_slice %arg4[%add3A, %dma_wait3A] : memref<32x512xi32, #tpu.memory_space<hbm>> -> memref<1x512xi32, #tpu.memory_space<hbm>>
      %dma_wait3A_37 = tpu.memref_squeeze %dma_wait3A_36 : memref<1x512xi32, #tpu.memory_space<hbm>> -> memref<512xi32, #tpu.memory_space<hbm>>
      %dma_wait3A_38 = arith.constant 0 : i32
      %dma_wait3A_39 = tpu.memref_slice %arg4[%add3A, %dma_wait3A_38] : memref<32x512xi32, #tpu.memory_space<hbm>> -> memref<1x512xi32, #tpu.memory_space<hbm>>
      %dma_wait3A_40 = tpu.memref_squeeze %dma_wait3A_39 : memref<1x512xi32, #tpu.memory_space<hbm>> -> memref<512xi32, #tpu.memory_space<hbm>>
      tpu.wait_dma2 semaphore(%run_scoped3A : memref<!tpu.dma_semaphore, #tpu.memory_space<semaphore_mem>>) src(%dma_wait3A_40 : memref<512xi32, #tpu.memory_space<hbm>>) dst(%arg11 : memref<512xi32, #tpu.memory_space<vmem>>)
      tpu.yield
    }) : () -> ()
    "tpu.region"() ({
      %run_scoped3A = tpu.sem_alloc : memref<!tpu.dma_semaphore, #tpu.memory_space<semaphore_mem>>
      %dma_start3A_30 = arith.constant 0 : i32
      %dma_start3A_31 = tpu.memref_slice %arg5[%add3A, %dma_start3A_30] : memref<32x512xi32, #tpu.memory_space<hbm>> -> memref<1x512xi32, #tpu.memory_space<hbm>>
      %dma_start3A_32 = tpu.memref_squeeze %dma_start3A_31 : memref<1x512xi32, #tpu.memory_space<hbm>> -> memref<512xi32, #tpu.memory_space<hbm>>
      %dma_start3A_33 = arith.constant 0 : i32
      %dma_start3A_34 = tpu.memref_slice %arg5[%add3A, %dma_start3A_33] : memref<32x512xi32, #tpu.memory_space<hbm>> -> memref<1x512xi32, #tpu.memory_space<hbm>>
      %dma_start3A_35 = tpu.memref_squeeze %dma_start3A_34 : memref<1x512xi32, #tpu.memory_space<hbm>> -> memref<512xi32, #tpu.memory_space<hbm>>
      tpu.enqueue_dma source(%dma_start3A_35 : memref<512xi32, #tpu.memory_space<hbm>>) target(%arg12 : memref<512xi32, #tpu.memory_space<vmem>>) target_semaphore(%run_scoped3A : memref<!tpu.dma_semaphore, #tpu.memory_space<semaphore_mem>>)
      %dma_wait3A = arith.constant 0 : i32
      %dma_wait3A_36 = tpu.memref_slice %arg5[%add3A, %dma_wait3A] : memref<32x512xi32, #tpu.memory_space<hbm>> -> memref<1x512xi32, #tpu.memory_space<hbm>>
      %dma_wait3A_37 = tpu.memref_squeeze %dma_wait3A_36 : memref<1x512xi32, #tpu.memory_space<hbm>> -> memref<512xi32, #tpu.memory_space<hbm>>
      %dma_wait3A_38 = arith.constant 0 : i32
      %dma_wait3A_39 = tpu.memref_slice %arg5[%add3A, %dma_wait3A_38] : memref<32x512xi32, #tpu.memory_space<hbm>> -> memref<1x512xi32, #tpu.memory_space<hbm>>
      %dma_wait3A_40 = tpu.memref_squeeze %dma_wait3A_39 : memref<1x512xi32, #tpu.memory_space<hbm>> -> memref<512xi32, #tpu.memory_space<hbm>>
      tpu.wait_dma2 semaphore(%run_scoped3A : memref<!tpu.dma_semaphore, #tpu.memory_space<semaphore_mem>>) src(%dma_wait3A_40 : memref<512xi32, #tpu.memory_space<hbm>>) dst(%arg12 : memref<512xi32, #tpu.memory_space<vmem>>)
      tpu.yield
    }) : () -> ()
    "tpu.region"() ({
      %run_scoped3A = tpu.sem_alloc : memref<!tpu.dma_semaphore, #tpu.memory_space<semaphore_mem>>
      %dma_start3A_30 = arith.constant 0 : i32
      %dma_start3A_31 = tpu.memref_slice %arg6[%add3A, %dma_start3A_30] : memref<32x16xi32, #tpu.memory_space<hbm>> -> memref<1x16xi32, #tpu.memory_space<hbm>>
      %dma_start3A_32 = tpu.memref_squeeze %dma_start3A_31 : memref<1x16xi32, #tpu.memory_space<hbm>> -> memref<16xi32, #tpu.memory_space<hbm>>
      %dma_start3A_33 = arith.constant 0 : i32
      %dma_start3A_34 = tpu.memref_slice %arg6[%add3A, %dma_start3A_33] : memref<32x16xi32, #tpu.memory_space<hbm>> -> memref<1x16xi32, #tpu.memory_space<hbm>>
      %dma_start3A_35 = tpu.memref_squeeze %dma_start3A_34 : memref<1x16xi32, #tpu.memory_space<hbm>> -> memref<16xi32, #tpu.memory_space<hbm>>
      tpu.enqueue_dma source(%dma_start3A_35 : memref<16xi32, #tpu.memory_space<hbm>>) target(%arg13 : memref<16xi32, #tpu.memory_space<vmem>>) target_semaphore(%run_scoped3A : memref<!tpu.dma_semaphore, #tpu.memory_space<semaphore_mem>>)
      %dma_wait3A = arith.constant 0 : i32
      %dma_wait3A_36 = tpu.memref_slice %arg6[%add3A, %dma_wait3A] : memref<32x16xi32, #tpu.memory_space<hbm>> -> memref<1x16xi32, #tpu.memory_space<hbm>>
      %dma_wait3A_37 = tpu.memref_squeeze %dma_wait3A_36 : memref<1x16xi32, #tpu.memory_space<hbm>> -> memref<16xi32, #tpu.memory_space<hbm>>
      %dma_wait3A_38 = arith.constant 0 : i32
      %dma_wait3A_39 = tpu.memref_slice %arg6[%add3A, %dma_wait3A_38] : memref<32x16xi32, #tpu.memory_space<hbm>> -> memref<1x16xi32, #tpu.memory_space<hbm>>
      %dma_wait3A_40 = tpu.memref_squeeze %dma_wait3A_39 : memref<1x16xi32, #tpu.memory_space<hbm>> -> memref<16xi32, #tpu.memory_space<hbm>>
      tpu.wait_dma2 semaphore(%run_scoped3A : memref<!tpu.dma_semaphore, #tpu.memory_space<semaphore_mem>>) src(%dma_wait3A_40 : memref<16xi32, #tpu.memory_space<hbm>>) dst(%arg13 : memref<16xi32, #tpu.memory_space<vmem>>)
      tpu.yield
    }) : () -> ()
    %get3A = arith.constant 0 : index
    %get3A_1 = tpu.vector_load %arg13[%get3A] {strides = array<i32>} : memref<16xi32, #tpu.memory_space<vmem>>, vector<16xi32>,
    %slice3A = vector.extract_strided_slice %get3A_1 {offsets = [0], sizes = [1], strides = [1]} : vector<16xi32> to vector<1xi32>
    %squeeze3A = vector.extract %slice3A[0] : i32 from vector<1xi32>
    %broadcast_in_dim3A = arith.constant 0 : i32
    %broadcast_in_dim3A_2 = vector.broadcast %broadcast_in_dim3A : i32 to vector<16xi32>
    %gather3A = tpu.vector_load_idx %arg9[%broadcast_in_dim3A_2] : memref<512xi32, #tpu.memory_space<vmem>>[vector<16xi32>], vector<16xi32>,
    %slice3A_3 = vector.extract_strided_slice %gather3A {offsets = [0], sizes = [1], strides = [1]} : vector<16xi32> to vector<1xi32>
    %squeeze3A_4 = vector.extract %slice3A_3[0] : i32 from vector<1xi32>
    %mul3A_5 = arith.constant 128 : i32
    %mul3A_6 = arith.muli %squeeze3A_4, %mul3A_5 : i32
    %dma_start3A = arith.constant 0 : i32
    %dma_start3A_7 = arith.constant 0 : i32
    %dma_start3A_8 = arith.constant 0 : i32
    %dma_start3A_9 = tpu.memref_slice %arg14[%dma_start3A, %dma_start3A_7, %dma_start3A_8] : memref<4x64x128xf32, #tpu.memory_space<vmem>> -> memref<1x64x128xf32, #tpu.memory_space<vmem>>
    %dma_start3A_10 = tpu.memref_squeeze %dma_start3A_9 : memref<1x64x128xf32, #tpu.memory_space<vmem>> -> memref<64x128xf32, #tpu.memory_space<vmem>>
    %dma_start3A_11 = arith.constant 0 : i32
    %dma_start3A_12 = tpu.memref_slice %arg7[%dma_start3A_11, %mul3A_6] : memref<64x1000001xf32, #tpu.memory_space<hbm>> -> memref<64x128xf32, #tpu.memory_space<hbm>>
    %dma_start3A_13 = arith.constant 0 : i32
    %dma_start3A_14 = arith.constant 0 : i32
    %dma_start3A_15 = tpu.memref_slice %arg14[%dma_start3A, %dma_start3A_13, %dma_start3A_14] : memref<4x64x128xf32, #tpu.memory_space<vmem>> -> memref<1x64x128xf32, #tpu.memory_space<vmem>>
    %dma_start3A_16 = tpu.memref_squeeze %dma_start3A_15 : memref<1x64x128xf32, #tpu.memory_space<vmem>> -> memref<64x128xf32, #tpu.memory_space<vmem>>
    %dma_start3A_17 = arith.constant 0 : i32
    %dma_start3A_18 = tpu.memref_slice %arg7[%dma_start3A_17, %mul3A_6] : memref<64x1000001xf32, #tpu.memory_space<hbm>> -> memref<64x128xf32, #tpu.memory_space<hbm>>
    tpu.enqueue_dma source(%dma_start3A_18 : memref<64x128xf32, #tpu.memory_space<hbm>>) target(%dma_start3A_16 : memref<64x128xf32, #tpu.memory_space<vmem>>) target_semaphore(%arg16 : memref<!tpu.dma_semaphore, #tpu.memory_space<semaphore_mem>>)
    %gt3A = arith.constant 1 : i32
    %gt3A_19 = arith.cmpi sgt, %squeeze3A, %gt3A : i32
    %convert_element_type3A = arith.extui %gt3A_19 : i1 to i32
    %cond3A = arith.constant 0 : i32
    %cond3A_20 = arith.cmpi ne, %convert_element_type3A, %cond3A : i32
    scf.if %cond3A_20 {
      %broadcast_in_dim3A_30 = arith.constant 1 : i32
      %broadcast_in_dim3A_31 = vector.broadcast %broadcast_in_dim3A_30 : i32 to vector<16xi32>
      %gather3A_32 = tpu.vector_load_idx %arg9[%broadcast_in_dim3A_31] : memref<512xi32, #tpu.memory_space<vmem>>[vector<16xi32>], vector<16xi32>,
      %slice3A_33 = vector.extract_strided_slice %gather3A_32 {offsets = [0], sizes = [1], strides = [1]} : vector<16xi32> to vector<1xi32>
      %squeeze3A_34 = vector.extract %slice3A_33[0] : i32 from vector<1xi32>
      %mul3A_35 = arith.constant 128 : i32
      %mul3A_36 = arith.muli %squeeze3A_34, %mul3A_35 : i32
      %dma_start3A_37 = arith.constant 1 : i32
      %dma_start3A_38 = arith.constant 0 : i32
      %dma_start3A_39 = arith.constant 0 : i32
      %dma_start3A_40 = tpu.memref_slice %arg14[%dma_start3A_37, %dma_start3A_38, %dma_start3A_39] : memref<4x64x128xf32, #tpu.memory_space<vmem>> -> memref<1x64x128xf32, #tpu.memory_space<vmem>>
      %dma_start3A_41 = tpu.memref_squeeze %dma_start3A_40 : memref<1x64x128xf32, #tpu.memory_space<vmem>> -> memref<64x128xf32, #tpu.memory_space<vmem>>
      %dma_start3A_42 = arith.constant 0 : i32
      %dma_start3A_43 = tpu.memref_slice %arg7[%dma_start3A_42, %mul3A_36] : memref<64x1000001xf32, #tpu.memory_space<hbm>> -> memref<64x128xf32, #tpu.memory_space<hbm>>
      %dma_start3A_44 = arith.constant 0 : i32
      %dma_start3A_45 = arith.constant 0 : i32
      %dma_start3A_46 = tpu.memref_slice %arg14[%dma_start3A_37, %dma_start3A_44, %dma_start3A_45] : memref<4x64x128xf32, #tpu.memory_space<vmem>> -> memref<1x64x128xf32, #tpu.memory_space<vmem>>
      %dma_start3A_47 = tpu.memref_squeeze %dma_start3A_46 : memref<1x64x128xf32, #tpu.memory_space<vmem>> -> memref<64x128xf32, #tpu.memory_space<vmem>>
      %dma_start3A_48 = arith.constant 0 : i32
      %dma_start3A_49 = tpu.memref_slice %arg7[%dma_start3A_48, %mul3A_36] : memref<64x1000001xf32, #tpu.memory_space<hbm>> -> memref<64x128xf32, #tpu.memory_space<hbm>>
      tpu.enqueue_dma source(%dma_start3A_49 : memref<64x128xf32, #tpu.memory_space<hbm>>) target(%dma_start3A_47 : memref<64x128xf32, #tpu.memory_space<vmem>>) target_semaphore(%arg17 : memref<!tpu.dma_semaphore, #tpu.memory_space<semaphore_mem>>)
    } else {
    }
    %while3A = arith.constant 0 : i32
    %while3A_21 = arith.constant 0 : i32
    %while3A_22 = arith.subi %squeeze3A, %while3A_21 : i32
    %while3A_23 = arith.addi %while3A_21, %while3A_22 : i32
    %while3A_24 = arith.constant 1 : i32
    %while3A_25 = arith.divsi %while3A_22, %while3A_24 : i32
    %while3A_26 = arith.muli %while3A_25, %while3A_24 : i32
    %while3A_27 = arith.addi %while3A_21, %while3A_26 : i32
    %while3A_28 = arith.constant 1 : i32
    scf.for %while3A_30 = %while3A_21 to %while3A_27 step %while3A_28  : i32 {
      %add3A_31 = arith.constant 2 : i32
      %add3A_32 = arith.addi %while3A_30, %add3A_31 : i32
      %lt3A = arith.cmpi slt, %add3A_32, %squeeze3A : i32
      %add3A_33 = arith.constant 2 : i32
      %add3A_34 = arith.addi %while3A_30, %add3A_33 : i32
      %and3A = arith.constant 1 : i32
      %and3A_35 = arith.andi %add3A_34, %and3A : i32
      %eq3A = arith.constant 0 : i32
      %eq3A_36 = arith.cmpi eq, %and3A_35, %eq3A : i32
      %and3A_37 = arith.andi %lt3A, %eq3A_36 : i1
      %convert_element_type3A_38 = arith.extui %and3A_37 : i1 to i32
      %cond3A_39 = arith.constant 0 : i32
      %cond3A_40 = arith.cmpi ne, %convert_element_type3A_38, %cond3A_39 : i32
      scf.if %cond3A_40 {
        %add3A_85 = arith.constant 2 : i32
        %add3A_86 = arith.addi %while3A_30, %add3A_85 : i32
        %broadcast_in_dim3A_87 = vector.broadcast %add3A_86 : i32 to vector<16xi32>
        %gather3A_88 = tpu.vector_load_idx %arg9[%broadcast_in_dim3A_87] : memref<512xi32, #tpu.memory_space<vmem>>[vector<16xi32>], vector<16xi32>,
        %slice3A_89 = vector.extract_strided_slice %gather3A_88 {offsets = [0], sizes = [1], strides = [1]} : vector<16xi32> to vector<1xi32>
        %squeeze3A_90 = vector.extract %slice3A_89[0] : i32 from vector<1xi32>
        %mul3A_91 = arith.constant 128 : i32
        %mul3A_92 = arith.muli %squeeze3A_90, %mul3A_91 : i32
        %and3A_93 = arith.constant 3 : i32
        %and3A_94 = arith.andi %add3A_86, %and3A_93 : i32
        %dma_start3A_95 = arith.constant 0 : i32
        %dma_start3A_96 = arith.constant 0 : i32
        %dma_start3A_97 = tpu.memref_slice %arg14[%and3A_94, %dma_start3A_95, %dma_start3A_96] : memref<4x64x128xf32, #tpu.memory_space<vmem>> -> memref<1x64x128xf32, #tpu.memory_space<vmem>>
        %dma_start3A_98 = tpu.memref_squeeze %dma_start3A_97 : memref<1x64x128xf32, #tpu.memory_space<vmem>> -> memref<64x128xf32, #tpu.memory_space<vmem>>
        %dma_start3A_99 = arith.constant 0 : i32
        %dma_start3A_100 = tpu.memref_slice %arg7[%dma_start3A_99, %mul3A_92] : memref<64x1000001xf32, #tpu.memory_space<hbm>> -> memref<64x128xf32, #tpu.memory_space<hbm>>
        %dma_start3A_101 = arith.constant 0 : i32
        %dma_start3A_102 = arith.constant 0 : i32
        %dma_start3A_103 = tpu.memref_slice %arg14[%and3A_94, %dma_start3A_101, %dma_start3A_102] : memref<4x64x128xf32, #tpu.memory_space<vmem>> -> memref<1x64x128xf32, #tpu.memory_space<vmem>>
        %dma_start3A_104 = tpu.memref_squeeze %dma_start3A_103 : memref<1x64x128xf32, #tpu.memory_space<vmem>> -> memref<64x128xf32, #tpu.memory_space<vmem>>
        %dma_start3A_105 = arith.constant 0 : i32
        %dma_start3A_106 = tpu.memref_slice %arg7[%dma_start3A_105, %mul3A_92] : memref<64x1000001xf32, #tpu.memory_space<hbm>> -> memref<64x128xf32, #tpu.memory_space<hbm>>
        tpu.enqueue_dma source(%dma_start3A_106 : memref<64x128xf32, #tpu.memory_space<hbm>>) target(%dma_start3A_104 : memref<64x128xf32, #tpu.memory_space<vmem>>) target_semaphore(%arg16 : memref<!tpu.dma_semaphore, #tpu.memory_space<semaphore_mem>>)
      } else {
      }
      %add3A_41 = arith.constant 2 : i32
      %add3A_42 = arith.addi %while3A_30, %add3A_41 : i32
      %lt3A_43 = arith.cmpi slt, %add3A_42, %squeeze3A : i32
      %add3A_44 = arith.constant 2 : i32
      %add3A_45 = arith.addi %while3A_30, %add3A_44 : i32
      %and3A_46 = arith.constant 1 : i32
      %and3A_47 = arith.andi %add3A_45, %and3A_46 : i32
      %eq3A_48 = arith.constant 1 : i32
      %eq3A_49 = arith.cmpi eq, %and3A_47, %eq3A_48 : i32
      %and3A_50 = arith.andi %lt3A_43, %eq3A_49 : i1
      %convert_element_type3A_51 = arith.extui %and3A_50 : i1 to i32
      %cond3A_52 = arith.constant 0 : i32
      %cond3A_53 = arith.cmpi ne, %convert_element_type3A_51, %cond3A_52 : i32
      scf.if %cond3A_53 {
        %add3A_85 = arith.constant 2 : i32
        %add3A_86 = arith.addi %while3A_30, %add3A_85 : i32
        %broadcast_in_dim3A_87 = vector.broadcast %add3A_86 : i32 to vector<16xi32>
        %gather3A_88 = tpu.vector_load_idx %arg9[%broadcast_in_dim3A_87] : memref<512xi32, #tpu.memory_space<vmem>>[vector<16xi32>], vector<16xi32>,
        %slice3A_89 = vector.extract_strided_slice %gather3A_88 {offsets = [0], sizes = [1], strides = [1]} : vector<16xi32> to vector<1xi32>
        %squeeze3A_90 = vector.extract %slice3A_89[0] : i32 from vector<1xi32>
        %mul3A_91 = arith.constant 128 : i32
        %mul3A_92 = arith.muli %squeeze3A_90, %mul3A_91 : i32
        %and3A_93 = arith.constant 3 : i32
        %and3A_94 = arith.andi %add3A_86, %and3A_93 : i32
        %dma_start3A_95 = arith.constant 0 : i32
        %dma_start3A_96 = arith.constant 0 : i32
        %dma_start3A_97 = tpu.memref_slice %arg14[%and3A_94, %dma_start3A_95, %dma_start3A_96] : memref<4x64x128xf32, #tpu.memory_space<vmem>> -> memref<1x64x128xf32, #tpu.memory_space<vmem>>
        %dma_start3A_98 = tpu.memref_squeeze %dma_start3A_97 : memref<1x64x128xf32, #tpu.memory_space<vmem>> -> memref<64x128xf32, #tpu.memory_space<vmem>>
        %dma_start3A_99 = arith.constant 0 : i32
        %dma_start3A_100 = tpu.memref_slice %arg7[%dma_start3A_99, %mul3A_92] : memref<64x1000001xf32, #tpu.memory_space<hbm>> -> memref<64x128xf32, #tpu.memory_space<hbm>>
        %dma_start3A_101 = arith.constant 0 : i32
        %dma_start3A_102 = arith.constant 0 : i32
        %dma_start3A_103 = tpu.memref_slice %arg14[%and3A_94, %dma_start3A_101, %dma_start3A_102] : memref<4x64x128xf32, #tpu.memory_space<vmem>> -> memref<1x64x128xf32, #tpu.memory_space<vmem>>
        %dma_start3A_104 = tpu.memref_squeeze %dma_start3A_103 : memref<1x64x128xf32, #tpu.memory_space<vmem>> -> memref<64x128xf32, #tpu.memory_space<vmem>>
        %dma_start3A_105 = arith.constant 0 : i32
        %dma_start3A_106 = tpu.memref_slice %arg7[%dma_start3A_105, %mul3A_92] : memref<64x1000001xf32, #tpu.memory_space<hbm>> -> memref<64x128xf32, #tpu.memory_space<hbm>>
        tpu.enqueue_dma source(%dma_start3A_106 : memref<64x128xf32, #tpu.memory_space<hbm>>) target(%dma_start3A_104 : memref<64x128xf32, #tpu.memory_space<vmem>>) target_semaphore(%arg17 : memref<!tpu.dma_semaphore, #tpu.memory_space<semaphore_mem>>)
      } else {
      }
      %and3A_54 = arith.constant 1 : i32
      %and3A_55 = arith.andi %while3A_30, %and3A_54 : i32
      %eq3A_56 = arith.constant 0 : i32
      %eq3A_57 = arith.cmpi eq, %and3A_55, %eq3A_56 : i32
      %convert_element_type3A_58 = arith.extui %eq3A_57 : i1 to i32
      %cond3A_59 = arith.constant 0 : i32
      %cond3A_60 = arith.cmpi ne, %convert_element_type3A_58, %cond3A_59 : i32
      scf.if %cond3A_60 {
        %dma_wait3A = arith.constant 0 : i32
        %dma_wait3A_85 = arith.constant 0 : i32
        %dma_wait3A_86 = arith.constant 0 : i32
        %dma_wait3A_87 = tpu.memref_slice %arg14[%dma_wait3A, %dma_wait3A_85, %dma_wait3A_86] : memref<4x64x128xf32, #tpu.memory_space<vmem>> -> memref<1x64x128xf32, #tpu.memory_space<vmem>>
        %dma_wait3A_88 = tpu.memref_squeeze %dma_wait3A_87 : memref<1x64x128xf32, #tpu.memory_space<vmem>> -> memref<64x128xf32, #tpu.memory_space<vmem>>
        %dma_wait3A_89 = arith.constant 0 : i32
        %dma_wait3A_90 = arith.constant 0 : i32
        %dma_wait3A_91 = tpu.memref_slice %arg7[%dma_wait3A_89, %dma_wait3A_90] : memref<64x1000001xf32, #tpu.memory_space<hbm>> -> memref<64x128xf32, #tpu.memory_space<hbm>>
        %dma_wait3A_92 = arith.constant 0 : i32
        %dma_wait3A_93 = arith.constant 0 : i32
        %dma_wait3A_94 = tpu.memref_slice %arg14[%dma_wait3A, %dma_wait3A_92, %dma_wait3A_93] : memref<4x64x128xf32, #tpu.memory_space<vmem>> -> memref<1x64x128xf32, #tpu.memory_space<vmem>>
        %dma_wait3A_95 = tpu.memref_squeeze %dma_wait3A_94 : memref<1x64x128xf32, #tpu.memory_space<vmem>> -> memref<64x128xf32, #tpu.memory_space<vmem>>
        %dma_wait3A_96 = arith.constant 0 : i32
        %dma_wait3A_97 = arith.constant 0 : i32
        %dma_wait3A_98 = tpu.memref_slice %arg7[%dma_wait3A_96, %dma_wait3A_97] : memref<64x1000001xf32, #tpu.memory_space<hbm>> -> memref<64x128xf32, #tpu.memory_space<hbm>>
        tpu.wait_dma2 semaphore(%arg16 : memref<!tpu.dma_semaphore, #tpu.memory_space<semaphore_mem>>) src(%dma_wait3A_98 : memref<64x128xf32, #tpu.memory_space<hbm>>) dst(%dma_wait3A_95 : memref<64x128xf32, #tpu.memory_space<vmem>>)
      } else {
      }
      %and3A_61 = arith.constant 1 : i32
      %and3A_62 = arith.andi %while3A_30, %and3A_61 : i32
      %eq3A_63 = arith.constant 1 : i32
      %eq3A_64 = arith.cmpi eq, %and3A_62, %eq3A_63 : i32
      %convert_element_type3A_65 = arith.extui %eq3A_64 : i1 to i32
      %cond3A_66 = arith.constant 0 : i32
      %cond3A_67 = arith.cmpi ne, %convert_element_type3A_65, %cond3A_66 : i32
      scf.if %cond3A_67 {
        %dma_wait3A = arith.constant 0 : i32
        %dma_wait3A_85 = arith.constant 0 : i32
        %dma_wait3A_86 = arith.constant 0 : i32
        %dma_wait3A_87 = tpu.memref_slice %arg14[%dma_wait3A, %dma_wait3A_85, %dma_wait3A_86] : memref<4x64x128xf32, #tpu.memory_space<vmem>> -> memref<1x64x128xf32, #tpu.memory_space<vmem>>
        %dma_wait3A_88 = tpu.memref_squeeze %dma_wait3A_87 : memref<1x64x128xf32, #tpu.memory_space<vmem>> -> memref<64x128xf32, #tpu.memory_space<vmem>>
        %dma_wait3A_89 = arith.constant 0 : i32
        %dma_wait3A_90 = arith.constant 0 : i32
        %dma_wait3A_91 = tpu.memref_slice %arg7[%dma_wait3A_89, %dma_wait3A_90] : memref<64x1000001xf32, #tpu.memory_space<hbm>> -> memref<64x128xf32, #tpu.memory_space<hbm>>
        %dma_wait3A_92 = arith.constant 0 : i32
        %dma_wait3A_93 = arith.constant 0 : i32
        %dma_wait3A_94 = tpu.memref_slice %arg14[%dma_wait3A, %dma_wait3A_92, %dma_wait3A_93] : memref<4x64x128xf32, #tpu.memory_space<vmem>> -> memref<1x64x128xf32, #tpu.memory_space<vmem>>
        %dma_wait3A_95 = tpu.memref_squeeze %dma_wait3A_94 : memref<1x64x128xf32, #tpu.memory_space<vmem>> -> memref<64x128xf32, #tpu.memory_space<vmem>>
        %dma_wait3A_96 = arith.constant 0 : i32
        %dma_wait3A_97 = arith.constant 0 : i32
        %dma_wait3A_98 = tpu.memref_slice %arg7[%dma_wait3A_96, %dma_wait3A_97] : memref<64x1000001xf32, #tpu.memory_space<hbm>> -> memref<64x128xf32, #tpu.memory_space<hbm>>
        tpu.wait_dma2 semaphore(%arg17 : memref<!tpu.dma_semaphore, #tpu.memory_space<semaphore_mem>>) src(%dma_wait3A_98 : memref<64x128xf32, #tpu.memory_space<hbm>>) dst(%dma_wait3A_95 : memref<64x128xf32, #tpu.memory_space<vmem>>)
      } else {
      }
      %broadcast_in_dim3A_68 = vector.broadcast %while3A_30 : i32 to vector<16xi32>
      %gather3A_69 = tpu.vector_load_idx %arg11[%broadcast_in_dim3A_68] : memref<512xi32, #tpu.memory_space<vmem>>[vector<16xi32>], vector<16xi32>,
      %slice3A_70 = vector.extract_strided_slice %gather3A_69 {offsets = [0], sizes = [1], strides = [1]} : vector<16xi32> to vector<1xi32>
      %squeeze3A_71 = vector.extract %slice3A_70[0] : i32 from vector<1xi32>
      %broadcast_in_dim3A_72 = vector.broadcast %while3A_30 : i32 to vector<16xi32>
      %gather3A_73 = tpu.vector_load_idx %arg12[%broadcast_in_dim3A_72] : memref<512xi32, #tpu.memory_space<vmem>>[vector<16xi32>], vector<16xi32>,
      %slice3A_74 = vector.extract_strided_slice %gather3A_73 {offsets = [0], sizes = [1], strides = [1]} : vector<16xi32> to vector<1xi32>
      %squeeze3A_75 = vector.extract %slice3A_74[0] : i32 from vector<1xi32>
      %while3A_76 = arith.constant 0 : i32
      %while3A_77 = arith.subi %squeeze3A_75, %squeeze3A_71 : i32
      %while3A_78 = arith.addi %squeeze3A_71, %while3A_77 : i32
      %while3A_79 = arith.constant 1 : i32
      %while3A_80 = arith.divsi %while3A_77, %while3A_79 : i32
      %while3A_81 = arith.muli %while3A_80, %while3A_79 : i32
      %while3A_82 = arith.addi %squeeze3A_71, %while3A_81 : i32
      %while3A_83 = arith.constant 1 : i32
      scf.for %while3A_85 = %squeeze3A_71 to %while3A_82 step %while3A_83  : i32 {
        %broadcast_in_dim3A_86 = vector.broadcast %while3A_85 : i32 to vector<16xi32>
        %gather3A_87 = tpu.vector_load_idx %arg10[%broadcast_in_dim3A_86] : memref<512xi32, #tpu.memory_space<vmem>>[vector<16xi32>], vector<16xi32>,
        %slice3A_88 = vector.extract_strided_slice %gather3A_87 {offsets = [0], sizes = [1], strides = [1]} : vector<16xi32> to vector<1xi32>
        %squeeze3A_89 = vector.extract %slice3A_88[0] : i32 from vector<1xi32>
        %and3A_90 = arith.constant 127 : i32
        %and3A_91 = arith.andi %squeeze3A_89, %and3A_90 : i32
        %broadcast_in_dim3A_92 = vector.broadcast %and3A_91 : i32 to vector<16xi32>
        %iota3A = tpu.iota {dimensions = array<i32: 0>} : vector<16xi32>
        %add3A_93 = arith.constant 0 : i32
        %add3A_94 = vector.broadcast %add3A_93 : i32 to vector<16xi32>
        %add3A_95 = arith.addi %iota3A, %add3A_94 : vector<16xi32>
        %and3A_96 = arith.constant 3 : i32
        %and3A_97 = arith.andi %while3A_30, %and3A_96 : i32
        %gather3A_98 = arith.constant 0 : i32
        %gather3A_99 = arith.constant 0 : i32
        %gather3A_100 = tpu.memref_slice %arg14[%and3A_97, %gather3A_98, %gather3A_99] : memref<4x64x128xf32, #tpu.memory_space<vmem>> -> memref<1x64x128xf32, #tpu.memory_space<vmem>>
        %gather3A_101 = tpu.memref_squeeze %gather3A_100 : memref<1x64x128xf32, #tpu.memory_space<vmem>> -> memref<64x128xf32, #tpu.memory_space<vmem>>
        %gather3A_102 = tpu.vector_load_idx %gather3A_101[%add3A_95, %broadcast_in_dim3A_92] : memref<64x128xf32, #tpu.memory_space<vmem>>[vector<16xi32>, vector<16xi32>], vector<16xf32>,
        %swap3A = arith.index_cast %while3A_85 : i32 to index
        %swap3A_103 = arith.constant 0 : index
        %swap3A_104 = tpu.vector_load %arg15[%swap3A, %swap3A_103] {strides = array<i32>} : memref<512x64xf32, #tpu.memory_space<vmem>>, vector<16xf32>,
        tpu.vector_store %arg15[%swap3A, %swap3A_103], %gather3A_102 {strides = array<i32>} : memref<512x64xf32, #tpu.memory_space<vmem>>, vector<16xf32>,
        %iota3A_105 = tpu.iota {dimensions = array<i32: 0>} : vector<16xi32>
        %add3A_106 = arith.constant 16 : i32
        %add3A_107 = vector.broadcast %add3A_106 : i32 to vector<16xi32>
        %add3A_108 = arith.addi %iota3A_105, %add3A_107 : vector<16xi32>
        %and3A_109 = arith.constant 3 : i32
        %and3A_110 = arith.andi %while3A_30, %and3A_109 : i32
        %gather3A_111 = arith.constant 0 : i32
        %gather3A_112 = arith.constant 0 : i32
        %gather3A_113 = tpu.memref_slice %arg14[%and3A_110, %gather3A_111, %gather3A_112] : memref<4x64x128xf32, #tpu.memory_space<vmem>> -> memref<1x64x128xf32, #tpu.memory_space<vmem>>
        %gather3A_114 = tpu.memref_squeeze %gather3A_113 : memref<1x64x128xf32, #tpu.memory_space<vmem>> -> memref<64x128xf32, #tpu.memory_space<vmem>>
        %gather3A_115 = tpu.vector_load_idx %gather3A_114[%add3A_108, %broadcast_in_dim3A_92] : memref<64x128xf32, #tpu.memory_space<vmem>>[vector<16xi32>, vector<16xi32>], vector<16xf32>,
        %swap3A_116 = arith.index_cast %while3A_85 : i32 to index
        %swap3A_117 = arith.constant 16 : index
        %swap3A_118 = tpu.vector_load %arg15[%swap3A_116, %swap3A_117] {strides = array<i32>} : memref<512x64xf32, #tpu.memory_space<vmem>>, vector<16xf32>,
        tpu.vector_store %arg15[%swap3A_116, %swap3A_117], %gather3A_115 {strides = array<i32>} : memref<512x64xf32, #tpu.memory_space<vmem>>, vector<16xf32>,
        %iota3A_119 = tpu.iota {dimensions = array<i32: 0>} : vector<16xi32>
        %add3A_120 = arith.constant 32 : i32
        %add3A_121 = vector.broadcast %add3A_120 : i32 to vector<16xi32>
        %add3A_122 = arith.addi %iota3A_119, %add3A_121 : vector<16xi32>
        %and3A_123 = arith.constant 3 : i32
        %and3A_124 = arith.andi %while3A_30, %and3A_123 : i32
        %gather3A_125 = arith.constant 0 : i32
        %gather3A_126 = arith.constant 0 : i32
        %gather3A_127 = tpu.memref_slice %arg14[%and3A_124, %gather3A_125, %gather3A_126] : memref<4x64x128xf32, #tpu.memory_space<vmem>> -> memref<1x64x128xf32, #tpu.memory_space<vmem>>
        %gather3A_128 = tpu.memref_squeeze %gather3A_127 : memref<1x64x128xf32, #tpu.memory_space<vmem>> -> memref<64x128xf32, #tpu.memory_space<vmem>>
        %gather3A_129 = tpu.vector_load_idx %gather3A_128[%add3A_122, %broadcast_in_dim3A_92] : memref<64x128xf32, #tpu.memory_space<vmem>>[vector<16xi32>, vector<16xi32>], vector<16xf32>,
        %swap3A_130 = arith.index_cast %while3A_85 : i32 to index
        %swap3A_131 = arith.constant 32 : index
        %swap3A_132 = tpu.vector_load %arg15[%swap3A_130, %swap3A_131] {strides = array<i32>} : memref<512x64xf32, #tpu.memory_space<vmem>>, vector<16xf32>,
        tpu.vector_store %arg15[%swap3A_130, %swap3A_131], %gather3A_129 {strides = array<i32>} : memref<512x64xf32, #tpu.memory_space<vmem>>, vector<16xf32>,
        %iota3A_133 = tpu.iota {dimensions = array<i32: 0>} : vector<16xi32>
        %add3A_134 = arith.constant 48 : i32
        %add3A_135 = vector.broadcast %add3A_134 : i32 to vector<16xi32>
        %add3A_136 = arith.addi %iota3A_133, %add3A_135 : vector<16xi32>
        %and3A_137 = arith.constant 3 : i32
        %and3A_138 = arith.andi %while3A_30, %and3A_137 : i32
        %gather3A_139 = arith.constant 0 : i32
        %gather3A_140 = arith.constant 0 : i32
        %gather3A_141 = tpu.memref_slice %arg14[%and3A_138, %gather3A_139, %gather3A_140] : memref<4x64x128xf32, #tpu.memory_space<vmem>> -> memref<1x64x128xf32, #tpu.memory_space<vmem>>
        %gather3A_142 = tpu.memref_squeeze %gather3A_141 : memref<1x64x128xf32, #tpu.memory_space<vmem>> -> memref<64x128xf32, #tpu.memory_space<vmem>>
        %gather3A_143 = tpu.vector_load_idx %gather3A_142[%add3A_136, %broadcast_in_dim3A_92] : memref<64x128xf32, #tpu.memory_space<vmem>>[vector<16xi32>, vector<16xi32>], vector<16xf32>,
        %swap3A_144 = arith.index_cast %while3A_85 : i32 to index
        %swap3A_145 = arith.constant 48 : index
        %swap3A_146 = tpu.vector_load %arg15[%swap3A_144, %swap3A_145] {strides = array<i32>} : memref<512x64xf32, #tpu.memory_space<vmem>>, vector<16xf32>,
        tpu.vector_store %arg15[%swap3A_144, %swap3A_145], %gather3A_143 {strides = array<i32>} : memref<512x64xf32, #tpu.memory_space<vmem>>, vector<16xf32>,
      }
      %while3A_84 = arith.constant 1 : i32
      scf.for %while3A_85 = %while3A_82 to %while3A_78 step %while3A_84  : i32 {
        %broadcast_in_dim3A_86 = vector.broadcast %while3A_85 : i32 to vector<16xi32>
        %gather3A_87 = tpu.vector_load_idx %arg10[%broadcast_in_dim3A_86] : memref<512xi32, #tpu.memory_space<vmem>>[vector<16xi32>], vector<16xi32>,
        %slice3A_88 = vector.extract_strided_slice %gather3A_87 {offsets = [0], sizes = [1], strides = [1]} : vector<16xi32> to vector<1xi32>
        %squeeze3A_89 = vector.extract %slice3A_88[0] : i32 from vector<1xi32>
        %and3A_90 = arith.constant 127 : i32
        %and3A_91 = arith.andi %squeeze3A_89, %and3A_90 : i32
        %broadcast_in_dim3A_92 = vector.broadcast %and3A_91 : i32 to vector<16xi32>
        %iota3A = tpu.iota {dimensions = array<i32: 0>} : vector<16xi32>
        %add3A_93 = arith.constant 0 : i32
        %add3A_94 = vector.broadcast %add3A_93 : i32 to vector<16xi32>
        %add3A_95 = arith.addi %iota3A, %add3A_94 : vector<16xi32>
        %and3A_96 = arith.constant 3 : i32
        %and3A_97 = arith.andi %while3A_30, %and3A_96 : i32
        %gather3A_98 = arith.constant 0 : i32
        %gather3A_99 = arith.constant 0 : i32
        %gather3A_100 = tpu.memref_slice %arg14[%and3A_97, %gather3A_98, %gather3A_99] : memref<4x64x128xf32, #tpu.memory_space<vmem>> -> memref<1x64x128xf32, #tpu.memory_space<vmem>>
        %gather3A_101 = tpu.memref_squeeze %gather3A_100 : memref<1x64x128xf32, #tpu.memory_space<vmem>> -> memref<64x128xf32, #tpu.memory_space<vmem>>
        %gather3A_102 = tpu.vector_load_idx %gather3A_101[%add3A_95, %broadcast_in_dim3A_92] : memref<64x128xf32, #tpu.memory_space<vmem>>[vector<16xi32>, vector<16xi32>], vector<16xf32>,
        %swap3A = arith.index_cast %while3A_85 : i32 to index
        %swap3A_103 = arith.constant 0 : index
        %swap3A_104 = tpu.vector_load %arg15[%swap3A, %swap3A_103] {strides = array<i32>} : memref<512x64xf32, #tpu.memory_space<vmem>>, vector<16xf32>,
        tpu.vector_store %arg15[%swap3A, %swap3A_103], %gather3A_102 {strides = array<i32>} : memref<512x64xf32, #tpu.memory_space<vmem>>, vector<16xf32>,
        %iota3A_105 = tpu.iota {dimensions = array<i32: 0>} : vector<16xi32>
        %add3A_106 = arith.constant 16 : i32
        %add3A_107 = vector.broadcast %add3A_106 : i32 to vector<16xi32>
        %add3A_108 = arith.addi %iota3A_105, %add3A_107 : vector<16xi32>
        %and3A_109 = arith.constant 3 : i32
        %and3A_110 = arith.andi %while3A_30, %and3A_109 : i32
        %gather3A_111 = arith.constant 0 : i32
        %gather3A_112 = arith.constant 0 : i32
        %gather3A_113 = tpu.memref_slice %arg14[%and3A_110, %gather3A_111, %gather3A_112] : memref<4x64x128xf32, #tpu.memory_space<vmem>> -> memref<1x64x128xf32, #tpu.memory_space<vmem>>
        %gather3A_114 = tpu.memref_squeeze %gather3A_113 : memref<1x64x128xf32, #tpu.memory_space<vmem>> -> memref<64x128xf32, #tpu.memory_space<vmem>>
        %gather3A_115 = tpu.vector_load_idx %gather3A_114[%add3A_108, %broadcast_in_dim3A_92] : memref<64x128xf32, #tpu.memory_space<vmem>>[vector<16xi32>, vector<16xi32>], vector<16xf32>,
        %swap3A_116 = arith.index_cast %while3A_85 : i32 to index
        %swap3A_117 = arith.constant 16 : index
        %swap3A_118 = tpu.vector_load %arg15[%swap3A_116, %swap3A_117] {strides = array<i32>} : memref<512x64xf32, #tpu.memory_space<vmem>>, vector<16xf32>,
        tpu.vector_store %arg15[%swap3A_116, %swap3A_117], %gather3A_115 {strides = array<i32>} : memref<512x64xf32, #tpu.memory_space<vmem>>, vector<16xf32>,
        %iota3A_119 = tpu.iota {dimensions = array<i32: 0>} : vector<16xi32>
        %add3A_120 = arith.constant 32 : i32
        %add3A_121 = vector.broadcast %add3A_120 : i32 to vector<16xi32>
        %add3A_122 = arith.addi %iota3A_119, %add3A_121 : vector<16xi32>
        %and3A_123 = arith.constant 3 : i32
        %and3A_124 = arith.andi %while3A_30, %and3A_123 : i32
        %gather3A_125 = arith.constant 0 : i32
        %gather3A_126 = arith.constant 0 : i32
        %gather3A_127 = tpu.memref_slice %arg14[%and3A_124, %gather3A_125, %gather3A_126] : memref<4x64x128xf32, #tpu.memory_space<vmem>> -> memref<1x64x128xf32, #tpu.memory_space<vmem>>
        %gather3A_128 = tpu.memref_squeeze %gather3A_127 : memref<1x64x128xf32, #tpu.memory_space<vmem>> -> memref<64x128xf32, #tpu.memory_space<vmem>>
        %gather3A_129 = tpu.vector_load_idx %gather3A_128[%add3A_122, %broadcast_in_dim3A_92] : memref<64x128xf32, #tpu.memory_space<vmem>>[vector<16xi32>, vector<16xi32>], vector<16xf32>,
        %swap3A_130 = arith.index_cast %while3A_85 : i32 to index
        %swap3A_131 = arith.constant 32 : index
        %swap3A_132 = tpu.vector_load %arg15[%swap3A_130, %swap3A_131] {strides = array<i32>} : memref<512x64xf32, #tpu.memory_space<vmem>>, vector<16xf32>,
        tpu.vector_store %arg15[%swap3A_130, %swap3A_131], %gather3A_129 {strides = array<i32>} : memref<512x64xf32, #tpu.memory_space<vmem>>, vector<16xf32>,
        %iota3A_133 = tpu.iota {dimensions = array<i32: 0>} : vector<16xi32>
        %add3A_134 = arith.constant 48 : i32
        %add3A_135 = vector.broadcast %add3A_134 : i32 to vector<16xi32>
        %add3A_136 = arith.addi %iota3A_133, %add3A_135 : vector<16xi32>
        %and3A_137 = arith.constant 3 : i32
        %and3A_138 = arith.andi %while3A_30, %and3A_137 : i32
        %gather3A_139 = arith.constant 0 : i32
        %gather3A_140 = arith.constant 0 : i32
        %gather3A_141 = tpu.memref_slice %arg14[%and3A_138, %gather3A_139, %gather3A_140] : memref<4x64x128xf32, #tpu.memory_space<vmem>> -> memref<1x64x128xf32, #tpu.memory_space<vmem>>
        %gather3A_142 = tpu.memref_squeeze %gather3A_141 : memref<1x64x128xf32, #tpu.memory_space<vmem>> -> memref<64x128xf32, #tpu.memory_space<vmem>>
        %gather3A_143 = tpu.vector_load_idx %gather3A_142[%add3A_136, %broadcast_in_dim3A_92] : memref<64x128xf32, #tpu.memory_space<vmem>>[vector<16xi32>, vector<16xi32>], vector<16xf32>,
        %swap3A_144 = arith.index_cast %while3A_85 : i32 to index
        %swap3A_145 = arith.constant 48 : index
        %swap3A_146 = tpu.vector_load %arg15[%swap3A_144, %swap3A_145] {strides = array<i32>} : memref<512x64xf32, #tpu.memory_space<vmem>>, vector<16xf32>,
        tpu.vector_store %arg15[%swap3A_144, %swap3A_145], %gather3A_143 {strides = array<i32>} : memref<512x64xf32, #tpu.memory_space<vmem>>, vector<16xf32>,
      }
    }
    %while3A_29 = arith.constant 1 : i32
    scf.for %while3A_30 = %while3A_27 to %while3A_23 step %while3A_29  : i32 {
      %add3A_31 = arith.constant 2 : i32
      %add3A_32 = arith.addi %while3A_30, %add3A_31 : i32
      %lt3A = arith.cmpi slt, %add3A_32, %squeeze3A : i32
      %add3A_33 = arith.constant 2 : i32
      %add3A_34 = arith.addi %while3A_30, %add3A_33 : i32
      %and3A = arith.constant 1 : i32
      %and3A_35 = arith.andi %add3A_34, %and3A : i32
      %eq3A = arith.constant 0 : i32
      %eq3A_36 = arith.cmpi eq, %and3A_35, %eq3A : i32
      %and3A_37 = arith.andi %lt3A, %eq3A_36 : i1
      %convert_element_type3A_38 = arith.extui %and3A_37 : i1 to i32
      %cond3A_39 = arith.constant 0 : i32
      %cond3A_40 = arith.cmpi ne, %convert_element_type3A_38, %cond3A_39 : i32
      scf.if %cond3A_40 {
        %add3A_85 = arith.constant 2 : i32
        %add3A_86 = arith.addi %while3A_30, %add3A_85 : i32
        %broadcast_in_dim3A_87 = vector.broadcast %add3A_86 : i32 to vector<16xi32>
        %gather3A_88 = tpu.vector_load_idx %arg9[%broadcast_in_dim3A_87] : memref<512xi32, #tpu.memory_space<vmem>>[vector<16xi32>], vector<16xi32>,
        %slice3A_89 = vector.extract_strided_slice %gather3A_88 {offsets = [0], sizes = [1], strides = [1]} : vector<16xi32> to vector<1xi32>
        %squeeze3A_90 = vector.extract %slice3A_89[0] : i32 from vector<1xi32>
        %mul3A_91 = arith.constant 128 : i32
        %mul3A_92 = arith.muli %squeeze3A_90, %mul3A_91 : i32
        %and3A_93 = arith.constant 3 : i32
        %and3A_94 = arith.andi %add3A_86, %and3A_93 : i32
        %dma_start3A_95 = arith.constant 0 : i32
        %dma_start3A_96 = arith.constant 0 : i32
        %dma_start3A_97 = tpu.memref_slice %arg14[%and3A_94, %dma_start3A_95, %dma_start3A_96] : memref<4x64x128xf32, #tpu.memory_space<vmem>> -> memref<1x64x128xf32, #tpu.memory_space<vmem>>
        %dma_start3A_98 = tpu.memref_squeeze %dma_start3A_97 : memref<1x64x128xf32, #tpu.memory_space<vmem>> -> memref<64x128xf32, #tpu.memory_space<vmem>>
        %dma_start3A_99 = arith.constant 0 : i32
        %dma_start3A_100 = tpu.memref_slice %arg7[%dma_start3A_99, %mul3A_92] : memref<64x1000001xf32, #tpu.memory_space<hbm>> -> memref<64x128xf32, #tpu.memory_space<hbm>>
        %dma_start3A_101 = arith.constant 0 : i32
        %dma_start3A_102 = arith.constant 0 : i32
        %dma_start3A_103 = tpu.memref_slice %arg14[%and3A_94, %dma_start3A_101, %dma_start3A_102] : memref<4x64x128xf32, #tpu.memory_space<vmem>> -> memref<1x64x128xf32, #tpu.memory_space<vmem>>
        %dma_start3A_104 = tpu.memref_squeeze %dma_start3A_103 : memref<1x64x128xf32, #tpu.memory_space<vmem>> -> memref<64x128xf32, #tpu.memory_space<vmem>>
        %dma_start3A_105 = arith.constant 0 : i32
        %dma_start3A_106 = tpu.memref_slice %arg7[%dma_start3A_105, %mul3A_92] : memref<64x1000001xf32, #tpu.memory_space<hbm>> -> memref<64x128xf32, #tpu.memory_space<hbm>>
        tpu.enqueue_dma source(%dma_start3A_106 : memref<64x128xf32, #tpu.memory_space<hbm>>) target(%dma_start3A_104 : memref<64x128xf32, #tpu.memory_space<vmem>>) target_semaphore(%arg16 : memref<!tpu.dma_semaphore, #tpu.memory_space<semaphore_mem>>)
      } else {
      }
      %add3A_41 = arith.constant 2 : i32
      %add3A_42 = arith.addi %while3A_30, %add3A_41 : i32
      %lt3A_43 = arith.cmpi slt, %add3A_42, %squeeze3A : i32
      %add3A_44 = arith.constant 2 : i32
      %add3A_45 = arith.addi %while3A_30, %add3A_44 : i32
      %and3A_46 = arith.constant 1 : i32
      %and3A_47 = arith.andi %add3A_45, %and3A_46 : i32
      %eq3A_48 = arith.constant 1 : i32
      %eq3A_49 = arith.cmpi eq, %and3A_47, %eq3A_48 : i32
      %and3A_50 = arith.andi %lt3A_43, %eq3A_49 : i1
      %convert_element_type3A_51 = arith.extui %and3A_50 : i1 to i32
      %cond3A_52 = arith.constant 0 : i32
      %cond3A_53 = arith.cmpi ne, %convert_element_type3A_51, %cond3A_52 : i32
      scf.if %cond3A_53 {
        %add3A_85 = arith.constant 2 : i32
        %add3A_86 = arith.addi %while3A_30, %add3A_85 : i32
        %broadcast_in_dim3A_87 = vector.broadcast %add3A_86 : i32 to vector<16xi32>
        %gather3A_88 = tpu.vector_load_idx %arg9[%broadcast_in_dim3A_87] : memref<512xi32, #tpu.memory_space<vmem>>[vector<16xi32>], vector<16xi32>,
        %slice3A_89 = vector.extract_strided_slice %gather3A_88 {offsets = [0], sizes = [1], strides = [1]} : vector<16xi32> to vector<1xi32>
        %squeeze3A_90 = vector.extract %slice3A_89[0] : i32 from vector<1xi32>
        %mul3A_91 = arith.constant 128 : i32
        %mul3A_92 = arith.muli %squeeze3A_90, %mul3A_91 : i32
        %and3A_93 = arith.constant 3 : i32
        %and3A_94 = arith.andi %add3A_86, %and3A_93 : i32
        %dma_start3A_95 = arith.constant 0 : i32
        %dma_start3A_96 = arith.constant 0 : i32
        %dma_start3A_97 = tpu.memref_slice %arg14[%and3A_94, %dma_start3A_95, %dma_start3A_96] : memref<4x64x128xf32, #tpu.memory_space<vmem>> -> memref<1x64x128xf32, #tpu.memory_space<vmem>>
        %dma_start3A_98 = tpu.memref_squeeze %dma_start3A_97 : memref<1x64x128xf32, #tpu.memory_space<vmem>> -> memref<64x128xf32, #tpu.memory_space<vmem>>
        %dma_start3A_99 = arith.constant 0 : i32
        %dma_start3A_100 = tpu.memref_slice %arg7[%dma_start3A_99, %mul3A_92] : memref<64x1000001xf32, #tpu.memory_space<hbm>> -> memref<64x128xf32, #tpu.memory_space<hbm>>
        %dma_start3A_101 = arith.constant 0 : i32
        %dma_start3A_102 = arith.constant 0 : i32
        %dma_start3A_103 = tpu.memref_slice %arg14[%and3A_94, %dma_start3A_101, %dma_start3A_102] : memref<4x64x128xf32, #tpu.memory_space<vmem>> -> memref<1x64x128xf32, #tpu.memory_space<vmem>>
        %dma_start3A_104 = tpu.memref_squeeze %dma_start3A_103 : memref<1x64x128xf32, #tpu.memory_space<vmem>> -> memref<64x128xf32, #tpu.memory_space<vmem>>
        %dma_start3A_105 = arith.constant 0 : i32
        %dma_start3A_106 = tpu.memref_slice %arg7[%dma_start3A_105, %mul3A_92] : memref<64x1000001xf32, #tpu.memory_space<hbm>> -> memref<64x128xf32, #tpu.memory_space<hbm>>
        tpu.enqueue_dma source(%dma_start3A_106 : memref<64x128xf32, #tpu.memory_space<hbm>>) target(%dma_start3A_104 : memref<64x128xf32, #tpu.memory_space<vmem>>) target_semaphore(%arg17 : memref<!tpu.dma_semaphore, #tpu.memory_space<semaphore_mem>>)
      } else {
      }
      %and3A_54 = arith.constant 1 : i32
      %and3A_55 = arith.andi %while3A_30, %and3A_54 : i32
      %eq3A_56 = arith.constant 0 : i32
      %eq3A_57 = arith.cmpi eq, %and3A_55, %eq3A_56 : i32
      %convert_element_type3A_58 = arith.extui %eq3A_57 : i1 to i32
      %cond3A_59 = arith.constant 0 : i32
      %cond3A_60 = arith.cmpi ne, %convert_element_type3A_58, %cond3A_59 : i32
      scf.if %cond3A_60 {
        %dma_wait3A = arith.constant 0 : i32
        %dma_wait3A_85 = arith.constant 0 : i32
        %dma_wait3A_86 = arith.constant 0 : i32
        %dma_wait3A_87 = tpu.memref_slice %arg14[%dma_wait3A, %dma_wait3A_85, %dma_wait3A_86] : memref<4x64x128xf32, #tpu.memory_space<vmem>> -> memref<1x64x128xf32, #tpu.memory_space<vmem>>
        %dma_wait3A_88 = tpu.memref_squeeze %dma_wait3A_87 : memref<1x64x128xf32, #tpu.memory_space<vmem>> -> memref<64x128xf32, #tpu.memory_space<vmem>>
        %dma_wait3A_89 = arith.constant 0 : i32
        %dma_wait3A_90 = arith.constant 0 : i32
        %dma_wait3A_91 = tpu.memref_slice %arg7[%dma_wait3A_89, %dma_wait3A_90] : memref<64x1000001xf32, #tpu.memory_space<hbm>> -> memref<64x128xf32, #tpu.memory_space<hbm>>
        %dma_wait3A_92 = arith.constant 0 : i32
        %dma_wait3A_93 = arith.constant 0 : i32
        %dma_wait3A_94 = tpu.memref_slice %arg14[%dma_wait3A, %dma_wait3A_92, %dma_wait3A_93] : memref<4x64x128xf32, #tpu.memory_space<vmem>> -> memref<1x64x128xf32, #tpu.memory_space<vmem>>
        %dma_wait3A_95 = tpu.memref_squeeze %dma_wait3A_94 : memref<1x64x128xf32, #tpu.memory_space<vmem>> -> memref<64x128xf32, #tpu.memory_space<vmem>>
        %dma_wait3A_96 = arith.constant 0 : i32
        %dma_wait3A_97 = arith.constant 0 : i32
        %dma_wait3A_98 = tpu.memref_slice %arg7[%dma_wait3A_96, %dma_wait3A_97] : memref<64x1000001xf32, #tpu.memory_space<hbm>> -> memref<64x128xf32, #tpu.memory_space<hbm>>
        tpu.wait_dma2 semaphore(%arg16 : memref<!tpu.dma_semaphore, #tpu.memory_space<semaphore_mem>>) src(%dma_wait3A_98 : memref<64x128xf32, #tpu.memory_space<hbm>>) dst(%dma_wait3A_95 : memref<64x128xf32, #tpu.memory_space<vmem>>)
      } else {
      }
      %and3A_61 = arith.constant 1 : i32
      %and3A_62 = arith.andi %while3A_30, %and3A_61 : i32
      %eq3A_63 = arith.constant 1 : i32
      %eq3A_64 = arith.cmpi eq, %and3A_62, %eq3A_63 : i32
      %convert_element_type3A_65 = arith.extui %eq3A_64 : i1 to i32
      %cond3A_66 = arith.constant 0 : i32
      %cond3A_67 = arith.cmpi ne, %convert_element_type3A_65, %cond3A_66 : i32
      scf.if %cond3A_67 {
        %dma_wait3A = arith.constant 0 : i32
        %dma_wait3A_85 = arith.constant 0 : i32
        %dma_wait3A_86 = arith.constant 0 : i32
        %dma_wait3A_87 = tpu.memref_slice %arg14[%dma_wait3A, %dma_wait3A_85, %dma_wait3A_86] : memref<4x64x128xf32, #tpu.memory_space<vmem>> -> memref<1x64x128xf32, #tpu.memory_space<vmem>>
        %dma_wait3A_88 = tpu.memref_squeeze %dma_wait3A_87 : memref<1x64x128xf32, #tpu.memory_space<vmem>> -> memref<64x128xf32, #tpu.memory_space<vmem>>
        %dma_wait3A_89 = arith.constant 0 : i32
        %dma_wait3A_90 = arith.constant 0 : i32
        %dma_wait3A_91 = tpu.memref_slice %arg7[%dma_wait3A_89, %dma_wait3A_90] : memref<64x1000001xf32, #tpu.memory_space<hbm>> -> memref<64x128xf32, #tpu.memory_space<hbm>>
        %dma_wait3A_92 = arith.constant 0 : i32
        %dma_wait3A_93 = arith.constant 0 : i32
        %dma_wait3A_94 = tpu.memref_slice %arg14[%dma_wait3A, %dma_wait3A_92, %dma_wait3A_93] : memref<4x64x128xf32, #tpu.memory_space<vmem>> -> memref<1x64x128xf32, #tpu.memory_space<vmem>>
        %dma_wait3A_95 = tpu.memref_squeeze %dma_wait3A_94 : memref<1x64x128xf32, #tpu.memory_space<vmem>> -> memref<64x128xf32, #tpu.memory_space<vmem>>
        %dma_wait3A_96 = arith.constant 0 : i32
        %dma_wait3A_97 = arith.constant 0 : i32
        %dma_wait3A_98 = tpu.memref_slice %arg7[%dma_wait3A_96, %dma_wait3A_97] : memref<64x1000001xf32, #tpu.memory_space<hbm>> -> memref<64x128xf32, #tpu.memory_space<hbm>>
        tpu.wait_dma2 semaphore(%arg17 : memref<!tpu.dma_semaphore, #tpu.memory_space<semaphore_mem>>) src(%dma_wait3A_98 : memref<64x128xf32, #tpu.memory_space<hbm>>) dst(%dma_wait3A_95 : memref<64x128xf32, #tpu.memory_space<vmem>>)
      } else {
      }
      %broadcast_in_dim3A_68 = vector.broadcast %while3A_30 : i32 to vector<16xi32>
      %gather3A_69 = tpu.vector_load_idx %arg11[%broadcast_in_dim3A_68] : memref<512xi32, #tpu.memory_space<vmem>>[vector<16xi32>], vector<16xi32>,
      %slice3A_70 = vector.extract_strided_slice %gather3A_69 {offsets = [0], sizes = [1], strides = [1]} : vector<16xi32> to vector<1xi32>
      %squeeze3A_71 = vector.extract %slice3A_70[0] : i32 from vector<1xi32>
      %broadcast_in_dim3A_72 = vector.broadcast %while3A_30 : i32 to vector<16xi32>
      %gather3A_73 = tpu.vector_load_idx %arg12[%broadcast_in_dim3A_72] : memref<512xi32, #tpu.memory_space<vmem>>[vector<16xi32>], vector<16xi32>,
      %slice3A_74 = vector.extract_strided_slice %gather3A_73 {offsets = [0], sizes = [1], strides = [1]} : vector<16xi32> to vector<1xi32>
      %squeeze3A_75 = vector.extract %slice3A_74[0] : i32 from vector<1xi32>
      %while3A_76 = arith.constant 0 : i32
      %while3A_77 = arith.subi %squeeze3A_75, %squeeze3A_71 : i32
      %while3A_78 = arith.addi %squeeze3A_71, %while3A_77 : i32
      %while3A_79 = arith.constant 1 : i32
      %while3A_80 = arith.divsi %while3A_77, %while3A_79 : i32
      %while3A_81 = arith.muli %while3A_80, %while3A_79 : i32
      %while3A_82 = arith.addi %squeeze3A_71, %while3A_81 : i32
      %while3A_83 = arith.constant 1 : i32
      scf.for %while3A_85 = %squeeze3A_71 to %while3A_82 step %while3A_83  : i32 {
        %broadcast_in_dim3A_86 = vector.broadcast %while3A_85 : i32 to vector<16xi32>
        %gather3A_87 = tpu.vector_load_idx %arg10[%broadcast_in_dim3A_86] : memref<512xi32, #tpu.memory_space<vmem>>[vector<16xi32>], vector<16xi32>,
        %slice3A_88 = vector.extract_strided_slice %gather3A_87 {offsets = [0], sizes = [1], strides = [1]} : vector<16xi32> to vector<1xi32>
        %squeeze3A_89 = vector.extract %slice3A_88[0] : i32 from vector<1xi32>
        %and3A_90 = arith.constant 127 : i32
        %and3A_91 = arith.andi %squeeze3A_89, %and3A_90 : i32
        %broadcast_in_dim3A_92 = vector.broadcast %and3A_91 : i32 to vector<16xi32>
        %iota3A = tpu.iota {dimensions = array<i32: 0>} : vector<16xi32>
        %add3A_93 = arith.constant 0 : i32
        %add3A_94 = vector.broadcast %add3A_93 : i32 to vector<16xi32>
        %add3A_95 = arith.addi %iota3A, %add3A_94 : vector<16xi32>
        %and3A_96 = arith.constant 3 : i32
        %and3A_97 = arith.andi %while3A_30, %and3A_96 : i32
        %gather3A_98 = arith.constant 0 : i32
        %gather3A_99 = arith.constant 0 : i32
        %gather3A_100 = tpu.memref_slice %arg14[%and3A_97, %gather3A_98, %gather3A_99] : memref<4x64x128xf32, #tpu.memory_space<vmem>> -> memref<1x64x128xf32, #tpu.memory_space<vmem>>
        %gather3A_101 = tpu.memref_squeeze %gather3A_100 : memref<1x64x128xf32, #tpu.memory_space<vmem>> -> memref<64x128xf32, #tpu.memory_space<vmem>>
        %gather3A_102 = tpu.vector_load_idx %gather3A_101[%add3A_95, %broadcast_in_dim3A_92] : memref<64x128xf32, #tpu.memory_space<vmem>>[vector<16xi32>, vector<16xi32>], vector<16xf32>,
        %swap3A = arith.index_cast %while3A_85 : i32 to index
        %swap3A_103 = arith.constant 0 : index
        %swap3A_104 = tpu.vector_load %arg15[%swap3A, %swap3A_103] {strides = array<i32>} : memref<512x64xf32, #tpu.memory_space<vmem>>, vector<16xf32>,
        tpu.vector_store %arg15[%swap3A, %swap3A_103], %gather3A_102 {strides = array<i32>} : memref<512x64xf32, #tpu.memory_space<vmem>>, vector<16xf32>,
        %iota3A_105 = tpu.iota {dimensions = array<i32: 0>} : vector<16xi32>
        %add3A_106 = arith.constant 16 : i32
        %add3A_107 = vector.broadcast %add3A_106 : i32 to vector<16xi32>
        %add3A_108 = arith.addi %iota3A_105, %add3A_107 : vector<16xi32>
        %and3A_109 = arith.constant 3 : i32
        %and3A_110 = arith.andi %while3A_30, %and3A_109 : i32
        %gather3A_111 = arith.constant 0 : i32
        %gather3A_112 = arith.constant 0 : i32
        %gather3A_113 = tpu.memref_slice %arg14[%and3A_110, %gather3A_111, %gather3A_112] : memref<4x64x128xf32, #tpu.memory_space<vmem>> -> memref<1x64x128xf32, #tpu.memory_space<vmem>>
        %gather3A_114 = tpu.memref_squeeze %gather3A_113 : memref<1x64x128xf32, #tpu.memory_space<vmem>> -> memref<64x128xf32, #tpu.memory_space<vmem>>
        %gather3A_115 = tpu.vector_load_idx %gather3A_114[%add3A_108, %broadcast_in_dim3A_92] : memref<64x128xf32, #tpu.memory_space<vmem>>[vector<16xi32>, vector<16xi32>], vector<16xf32>,
        %swap3A_116 = arith.index_cast %while3A_85 : i32 to index
        %swap3A_117 = arith.constant 16 : index
        %swap3A_118 = tpu.vector_load %arg15[%swap3A_116, %swap3A_117] {strides = array<i32>} : memref<512x64xf32, #tpu.memory_space<vmem>>, vector<16xf32>,
        tpu.vector_store %arg15[%swap3A_116, %swap3A_117], %gather3A_115 {strides = array<i32>} : memref<512x64xf32, #tpu.memory_space<vmem>>, vector<16xf32>,
        %iota3A_119 = tpu.iota {dimensions = array<i32: 0>} : vector<16xi32>
        %add3A_120 = arith.constant 32 : i32
        %add3A_121 = vector.broadcast %add3A_120 : i32 to vector<16xi32>
        %add3A_122 = arith.addi %iota3A_119, %add3A_121 : vector<16xi32>
        %and3A_123 = arith.constant 3 : i32
        %and3A_124 = arith.andi %while3A_30, %and3A_123 : i32
        %gather3A_125 = arith.constant 0 : i32
        %gather3A_126 = arith.constant 0 : i32
        %gather3A_127 = tpu.memref_slice %arg14[%and3A_124, %gather3A_125, %gather3A_126] : memref<4x64x128xf32, #tpu.memory_space<vmem>> -> memref<1x64x128xf32, #tpu.memory_space<vmem>>
        %gather3A_128 = tpu.memref_squeeze %gather3A_127 : memref<1x64x128xf32, #tpu.memory_space<vmem>> -> memref<64x128xf32, #tpu.memory_space<vmem>>
        %gather3A_129 = tpu.vector_load_idx %gather3A_128[%add3A_122, %broadcast_in_dim3A_92] : memref<64x128xf32, #tpu.memory_space<vmem>>[vector<16xi32>, vector<16xi32>], vector<16xf32>,
        %swap3A_130 = arith.index_cast %while3A_85 : i32 to index
        %swap3A_131 = arith.constant 32 : index
        %swap3A_132 = tpu.vector_load %arg15[%swap3A_130, %swap3A_131] {strides = array<i32>} : memref<512x64xf32, #tpu.memory_space<vmem>>, vector<16xf32>,
        tpu.vector_store %arg15[%swap3A_130, %swap3A_131], %gather3A_129 {strides = array<i32>} : memref<512x64xf32, #tpu.memory_space<vmem>>, vector<16xf32>,
        %iota3A_133 = tpu.iota {dimensions = array<i32: 0>} : vector<16xi32>
        %add3A_134 = arith.constant 48 : i32
        %add3A_135 = vector.broadcast %add3A_134 : i32 to vector<16xi32>
        %add3A_136 = arith.addi %iota3A_133, %add3A_135 : vector<16xi32>
        %and3A_137 = arith.constant 3 : i32
        %and3A_138 = arith.andi %while3A_30, %and3A_137 : i32
        %gather3A_139 = arith.constant 0 : i32
        %gather3A_140 = arith.constant 0 : i32
        %gather3A_141 = tpu.memref_slice %arg14[%and3A_138, %gather3A_139, %gather3A_140] : memref<4x64x128xf32, #tpu.memory_space<vmem>> -> memref<1x64x128xf32, #tpu.memory_space<vmem>>
        %gather3A_142 = tpu.memref_squeeze %gather3A_141 : memref<1x64x128xf32, #tpu.memory_space<vmem>> -> memref<64x128xf32, #tpu.memory_space<vmem>>
        %gather3A_143 = tpu.vector_load_idx %gather3A_142[%add3A_136, %broadcast_in_dim3A_92] : memref<64x128xf32, #tpu.memory_space<vmem>>[vector<16xi32>, vector<16xi32>], vector<16xf32>,
        %swap3A_144 = arith.index_cast %while3A_85 : i32 to index
        %swap3A_145 = arith.constant 48 : index
        %swap3A_146 = tpu.vector_load %arg15[%swap3A_144, %swap3A_145] {strides = array<i32>} : memref<512x64xf32, #tpu.memory_space<vmem>>, vector<16xf32>,
        tpu.vector_store %arg15[%swap3A_144, %swap3A_145], %gather3A_143 {strides = array<i32>} : memref<512x64xf32, #tpu.memory_space<vmem>>, vector<16xf32>,
      }
      %while3A_84 = arith.constant 1 : i32
      scf.for %while3A_85 = %while3A_82 to %while3A_78 step %while3A_84  : i32 {
        %broadcast_in_dim3A_86 = vector.broadcast %while3A_85 : i32 to vector<16xi32>
        %gather3A_87 = tpu.vector_load_idx %arg10[%broadcast_in_dim3A_86] : memref<512xi32, #tpu.memory_space<vmem>>[vector<16xi32>], vector<16xi32>,
        %slice3A_88 = vector.extract_strided_slice %gather3A_87 {offsets = [0], sizes = [1], strides = [1]} : vector<16xi32> to vector<1xi32>
        %squeeze3A_89 = vector.extract %slice3A_88[0] : i32 from vector<1xi32>
        %and3A_90 = arith.constant 127 : i32
        %and3A_91 = arith.andi %squeeze3A_89, %and3A_90 : i32
        %broadcast_in_dim3A_92 = vector.broadcast %and3A_91 : i32 to vector<16xi32>
        %iota3A = tpu.iota {dimensions = array<i32: 0>} : vector<16xi32>
        %add3A_93 = arith.constant 0 : i32
        %add3A_94 = vector.broadcast %add3A_93 : i32 to vector<16xi32>
        %add3A_95 = arith.addi %iota3A, %add3A_94 : vector<16xi32>
        %and3A_96 = arith.constant 3 : i32
        %and3A_97 = arith.andi %while3A_30, %and3A_96 : i32
        %gather3A_98 = arith.constant 0 : i32
        %gather3A_99 = arith.constant 0 : i32
        %gather3A_100 = tpu.memref_slice %arg14[%and3A_97, %gather3A_98, %gather3A_99] : memref<4x64x128xf32, #tpu.memory_space<vmem>> -> memref<1x64x128xf32, #tpu.memory_space<vmem>>
        %gather3A_101 = tpu.memref_squeeze %gather3A_100 : memref<1x64x128xf32, #tpu.memory_space<vmem>> -> memref<64x128xf32, #tpu.memory_space<vmem>>
        %gather3A_102 = tpu.vector_load_idx %gather3A_101[%add3A_95, %broadcast_in_dim3A_92] : memref<64x128xf32, #tpu.memory_space<vmem>>[vector<16xi32>, vector<16xi32>], vector<16xf32>,
        %swap3A = arith.index_cast %while3A_85 : i32 to index
        %swap3A_103 = arith.constant 0 : index
        %swap3A_104 = tpu.vector_load %arg15[%swap3A, %swap3A_103] {strides = array<i32>} : memref<512x64xf32, #tpu.memory_space<vmem>>, vector<16xf32>,
        tpu.vector_store %arg15[%swap3A, %swap3A_103], %gather3A_102 {strides = array<i32>} : memref<512x64xf32, #tpu.memory_space<vmem>>, vector<16xf32>,
        %iota3A_105 = tpu.iota {dimensions = array<i32: 0>} : vector<16xi32>
        %add3A_106 = arith.constant 16 : i32
        %add3A_107 = vector.broadcast %add3A_106 : i32 to vector<16xi32>
        %add3A_108 = arith.addi %iota3A_105, %add3A_107 : vector<16xi32>
        %and3A_109 = arith.constant 3 : i32
        %and3A_110 = arith.andi %while3A_30, %and3A_109 : i32
        %gather3A_111 = arith.constant 0 : i32
        %gather3A_112 = arith.constant 0 : i32
        %gather3A_113 = tpu.memref_slice %arg14[%and3A_110, %gather3A_111, %gather3A_112] : memref<4x64x128xf32, #tpu.memory_space<vmem>> -> memref<1x64x128xf32, #tpu.memory_space<vmem>>
        %gather3A_114 = tpu.memref_squeeze %gather3A_113 : memref<1x64x128xf32, #tpu.memory_space<vmem>> -> memref<64x128xf32, #tpu.memory_space<vmem>>
        %gather3A_115 = tpu.vector_load_idx %gather3A_114[%add3A_108, %broadcast_in_dim3A_92] : memref<64x128xf32, #tpu.memory_space<vmem>>[vector<16xi32>, vector<16xi32>], vector<16xf32>,
        %swap3A_116 = arith.index_cast %while3A_85 : i32 to index
        %swap3A_117 = arith.constant 16 : index
        %swap3A_118 = tpu.vector_load %arg15[%swap3A_116, %swap3A_117] {strides = array<i32>} : memref<512x64xf32, #tpu.memory_space<vmem>>, vector<16xf32>,
        tpu.vector_store %arg15[%swap3A_116, %swap3A_117], %gather3A_115 {strides = array<i32>} : memref<512x64xf32, #tpu.memory_space<vmem>>, vector<16xf32>,
        %iota3A_119 = tpu.iota {dimensions = array<i32: 0>} : vector<16xi32>
        %add3A_120 = arith.constant 32 : i32
        %add3A_121 = vector.broadcast %add3A_120 : i32 to vector<16xi32>
        %add3A_122 = arith.addi %iota3A_119, %add3A_121 : vector<16xi32>
        %and3A_123 = arith.constant 3 : i32
        %and3A_124 = arith.andi %while3A_30, %and3A_123 : i32
        %gather3A_125 = arith.constant 0 : i32
        %gather3A_126 = arith.constant 0 : i32
        %gather3A_127 = tpu.memref_slice %arg14[%and3A_124, %gather3A_125, %gather3A_126] : memref<4x64x128xf32, #tpu.memory_space<vmem>> -> memref<1x64x128xf32, #tpu.memory_space<vmem>>
        %gather3A_128 = tpu.memref_squeeze %gather3A_127 : memref<1x64x128xf32, #tpu.memory_space<vmem>> -> memref<64x128xf32, #tpu.memory_space<vmem>>
        %gather3A_129 = tpu.vector_load_idx %gather3A_128[%add3A_122, %broadcast_in_dim3A_92] : memref<64x128xf32, #tpu.memory_space<vmem>>[vector<16xi32>, vector<16xi32>], vector<16xf32>,
        %swap3A_130 = arith.index_cast %while3A_85 : i32 to index
        %swap3A_131 = arith.constant 32 : index
        %swap3A_132 = tpu.vector_load %arg15[%swap3A_130, %swap3A_131] {strides = array<i32>} : memref<512x64xf32, #tpu.memory_space<vmem>>, vector<16xf32>,
        tpu.vector_store %arg15[%swap3A_130, %swap3A_131], %gather3A_129 {strides = array<i32>} : memref<512x64xf32, #tpu.memory_space<vmem>>, vector<16xf32>,
        %iota3A_133 = tpu.iota {dimensions = array<i32: 0>} : vector<16xi32>
        %add3A_134 = arith.constant 48 : i32
        %add3A_135 = vector.broadcast %add3A_134 : i32 to vector<16xi32>
        %add3A_136 = arith.addi %iota3A_133, %add3A_135 : vector<16xi32>
        %and3A_137 = arith.constant 3 : i32
        %and3A_138 = arith.andi %while3A_30, %and3A_137 : i32
        %gather3A_139 = arith.constant 0 : i32
        %gather3A_140 = arith.constant 0 : i32
        %gather3A_141 = tpu.memref_slice %arg14[%and3A_138, %gather3A_139, %gather3A_140] : memref<4x64x128xf32, #tpu.memory_space<vmem>> -> memref<1x64x128xf32, #tpu.memory_space<vmem>>
        %gather3A_142 = tpu.memref_squeeze %gather3A_141 : memref<1x64x128xf32, #tpu.memory_space<vmem>> -> memref<64x128xf32, #tpu.memory_space<vmem>>
        %gather3A_143 = tpu.vector_load_idx %gather3A_142[%add3A_136, %broadcast_in_dim3A_92] : memref<64x128xf32, #tpu.memory_space<vmem>>[vector<16xi32>, vector<16xi32>], vector<16xf32>,
        %swap3A_144 = arith.index_cast %while3A_85 : i32 to index
        %swap3A_145 = arith.constant 48 : index
        %swap3A_146 = tpu.vector_load %arg15[%swap3A_144, %swap3A_145] {strides = array<i32>} : memref<512x64xf32, #tpu.memory_space<vmem>>, vector<16xf32>,
        tpu.vector_store %arg15[%swap3A_144, %swap3A_145], %gather3A_143 {strides = array<i32>} : memref<512x64xf32, #tpu.memory_space<vmem>>, vector<16xf32>,
      }
    }
    "tpu.region"() ({
      %run_scoped3A = tpu.sem_alloc : memref<!tpu.dma_semaphore, #tpu.memory_space<semaphore_mem>>
      %dma_start3A_30 = arith.constant 0 : i32
      %dma_start3A_31 = arith.constant 0 : i32
      %dma_start3A_32 = tpu.memref_slice %arg8[%add3A, %dma_start3A_30, %dma_start3A_31] : memref<32x512x64xf32, #tpu.memory_space<hbm>> -> memref<1x512x64xf32, #tpu.memory_space<hbm>>
      %dma_start3A_33 = tpu.memref_squeeze %dma_start3A_32 : memref<1x512x64xf32, #tpu.memory_space<hbm>> -> memref<512x64xf32, #tpu.memory_space<hbm>>
      %dma_start3A_34 = arith.constant 0 : i32
      %dma_start3A_35 = arith.constant 0 : i32
      %dma_start3A_36 = tpu.memref_slice %arg8[%add3A, %dma_start3A_34, %dma_start3A_35] : memref<32x512x64xf32, #tpu.memory_space<hbm>> -> memref<1x512x64xf32, #tpu.memory_space<hbm>>
      %dma_start3A_37 = tpu.memref_squeeze %dma_start3A_36 : memref<1x512x64xf32, #tpu.memory_space<hbm>> -> memref<512x64xf32, #tpu.memory_space<hbm>>
      tpu.enqueue_dma source(%arg15 : memref<512x64xf32, #tpu.memory_space<vmem>>) target(%dma_start3A_37 : memref<512x64xf32, #tpu.memory_space<hbm>>) target_semaphore(%run_scoped3A : memref<!tpu.dma_semaphore, #tpu.memory_space<semaphore_mem>>)
      %dma_wait3A = arith.constant 0 : i32
      %dma_wait3A_38 = arith.constant 0 : i32
      %dma_wait3A_39 = tpu.memref_slice %arg8[%add3A, %dma_wait3A, %dma_wait3A_38] : memref<32x512x64xf32, #tpu.memory_space<hbm>> -> memref<1x512x64xf32, #tpu.memory_space<hbm>>
      %dma_wait3A_40 = tpu.memref_squeeze %dma_wait3A_39 : memref<1x512x64xf32, #tpu.memory_space<hbm>> -> memref<512x64xf32, #tpu.memory_space<hbm>>
      %dma_wait3A_41 = arith.constant 0 : i32
      %dma_wait3A_42 = arith.constant 0 : i32
      %dma_wait3A_43 = tpu.memref_slice %arg8[%add3A, %dma_wait3A_41, %dma_wait3A_42] : memref<32x512x64xf32, #tpu.memory_space<hbm>> -> memref<1x512x64xf32, #tpu.memory_space<hbm>>
      %dma_wait3A_44 = tpu.memref_squeeze %dma_wait3A_43 : memref<1x512x64xf32, #tpu.memory_space<hbm>> -> memref<512x64xf32, #tpu.memory_space<hbm>>
      tpu.wait_dma2 semaphore(%run_scoped3A : memref<!tpu.dma_semaphore, #tpu.memory_space<semaphore_mem>>) src(%arg15 : memref<512x64xf32, #tpu.memory_space<vmem>>) dst(%dma_wait3A_44 : memref<512x64xf32, #tpu.memory_space<hbm>>)
      tpu.yield
    }) : () -> ()
    return
  }
}

</mosaic_0001>

<sc_bundles>
// kernel: _sc_gather.3.cloned.1.call-start
scs
__scs_entry_jumppad:
0x0: {  	(pc) =	sbr.rel $0x88, $3  }
0x1: {  	(tag) =	ssettag $0x0;
	lr =	simm.s32 $0x1  }
0x2: {  	[smem:$0x3F9B] =	sst lr;
	_ =	strace $0xD0000000  }
0x3: {  	_ = 	snop  }
0x4: {  	_ = 	snop  }
0x5: {  	_ = 	snop  }
0x6: {  	_ = 	snop  }
0x7: {  	_ = 	snop  }
__scs_overlays_trampoline_lowered:
0x8: {  	[smem:$0x3FAA] =	sst s0  }
0x9: {  	[smem:$0x3FAB] =	sst s1  }
0xa: {  	[smem:$0x3FAC] =	sst s2  }
0xb: {  	[smem:$0x3FAD] =	sst s3  }
0xc: {  	[smem:$0x3FAE] =	sst s4  }
0xd: {  	[smem:$0x3FAF] =	sst s5  }
0xe: {  	[smem:$0x3FB0] =	sst s6  }
0xf: {  	[smem:$0x3FB1] =	sst s7  }
0x10: {  	[smem:$0x3FB2] =	sst s8  }
0x11: {  	[smem:$0x3FB3] =	sst s9;
	s0 =	simm.s32 @!p0 $0x0  }
0x12: {  	s1 =	sld [smem:$0x3F99];
	s0 =	simm.s32 @p0 $0x1  }
0x13: {  	[smem:$0x3FB4] =	sst s0;
	s0 =	simm.s32 @!p1 $0x0  }
0x14: {  	s2 =	sld [smem:$0x3F98];
	s0 =	simm.s32 @p1 $0x1  }
0x15: {  	[smem:$0x3FB5] =	sst s0;
	s0 =	simm.s32 @!p2 $0x0  }
0x16: {  	s3 =	sld [smem:$0x3FDB];
	s0 =	simm.s32 @p2 $0x1  }
0x17: {  	s4 =	simm.s32 $0x1BF5;
	[smem:$0x3FB7] =	sst s0  }
0x18: {  	s0 =	sld [smem:$0x3F9A];
	_ =	swait.ge [sflag:s4], $0x0  }
0x19: {  	s7 =	sld [smem:$0x3F9B]  }
0x1a: {  	s8 =	sadd.s32 $0xFFFFE003, lr  }
0x1b: {  	s9 =	sadd.s32 $0xFFFFFEF7, lr;
	s5 =	simm.s32 $0xFFFFFFFF;
	p2 =	slt.u32 s8, $0xFFFFF086  }
0x1c: {  	p1 =	slt.u32 s9, $0xF7A;
	s5 =	simm.s32 @!p2 $0x0  }
0x1d: {  	s5 =	simm.s32 @p1 $0x1;
	p0 =	seq.s32 s7, s2  }
0x1e: {  	s7 =	smul.u32 @!p0 $0xF7A, s2;
	p2 =	seq.s32 @!p0 s5, $0x0  }
0x1f: {  	s9 =	smul.u32 $0xF7A, s1;
	s8 =	simm.s32 @!p0 $0x1BF5;
	p2 =	por !p2, p0  }
0x20: {  	[sflag:s8] =	ssyncset.s32 @!p0 $0xFFFFF086;
	s6 =	sadd.s32 @!p0 s3, s7;
	s7 =	simm.s32 @!p0 $0x108  }
0x21: {  	s3 =	sadd.s32 s3, s9;
	s6 =	sadd.s32 @!p0 $0x88, s6;
	s7 =	simm.s32 @p2 $0x1082  }
0x22: {  	[simem:s7], [sflag:s8] =	dma.local @!p0 [hbm:s6], $0xF7A  }
0x23: {  	s9 =	sor.u32 $0xD0000000, s2;
	s6 =	simm.s32 $0x108;
	_ =	swait.ge @!p0 [sflag:s8], $0x0  }
0x24: {  	s3 =	sadd.s32 $0x88, s3;
	s6 =	simm.s32 @!p1 $0x1082;
	[sflag:s4] =	ssyncset.s32 $0xFFFFF086  }
0x25: {  	[simem:s6], [sflag:s4] =	dma.local [hbm:s3], $0xF7A  }
0x26: {  	[smem:$0x3F9B] =	sst s1;
	(tag) =	ssettag s2;
	_ =	strace s9  }
0x27: {  	s1 =	sld [smem:$0x3FAB]  }
0x28: {  	s2 =	sld [smem:$0x3FAC]  }
0x29: {  	s4 =	sld [smem:$0x3FAE]  }
0x2a: {  	p0 =	seq.s32 s5, $0x0;
	s5 =	sld [smem:$0x3FAF]  }
0x2b: {  	s6 =	sld [smem:$0x3FB0]  }
0x2c: {  	s7 =	sld [smem:$0x3FB1]  }
0x2d: {  	s3 =	simm.s32 $0x108;
	s8 =	sld [smem:$0x3FB2]  }
0x2e: {  	s3 =	simm.s32 @!p0 $0x1082;
	s9 =	sld [smem:$0x3FB3]  }
0x2f: {  	lr =	sadd.s32 s0, s3;
	s0 =	sld [smem:$0x3FAA]  }
0x30: {  	s3 =	sld [smem:$0x3FAD]  }
0x31: {  	[smem:$0x3FB6] =	sst s10  }
0x32: {  	s10 =	sld [smem:$0x3FB4];
	_ =	sdelay $0x3  }
0x33: {  	p0 =	seq.s32 s10, $0x1;
	s10 =	sld [smem:$0x3FB6];
	_ =	sdelay $0x3  }
0x34: {  	[smem:$0x3FB6] =	sst s10  }
0x35: {  	s10 =	sld [smem:$0x3FB5];
	_ =	sdelay $0x3  }
0x36: {  	p1 =	seq.s32 s10, $0x1;
	s10 =	sld [smem:$0x3FB6];
	_ =	sdelay $0x3  }
0x37: {  	[smem:$0x3FB6] =	sst s10  }
0x38: {  	s10 =	sld [smem:$0x3FB7]  }
0x39: {  	_ = 	snop;
	(pc) =	sbr.ind lr, $3  }
0x3a: {  	_ = 	snop  }
0x3b: {  	_ = 	snop  }
0x3c: {  	p2 =	seq.s32 s10, $0x1;
	s10 =	sld [smem:$0x3FB6]  }
0x3d: {  	_ =	shalt  }
0x3e: {  	_ =	shalt  }
0x3f: {  	_ =	shalt  }
0x40: {  	_ =	shalt  }
0x41: {  	_ =	shalt  }
0x42: {  	_ =	shalt  }
0x43: {  	_ =	shalt  }
0x44: {  	_ =	shalt  }
0x45: {  	_ =	shalt  }
0x46: {  	_ =	shalt  }
0x47: {  	_ =	shalt  }
0x48: {  	_ =	shalt  }
0x49: {  	_ =	shalt  }
0x4a: {  	_ =	shalt  }
0x4b: {  	_ =	shalt  }
0x4c: {  	_ =	shalt  }
0x4d: {  	_ =	shalt  }
0x4e: {  	_ =	shalt  }
0x4f: {  	_ =	shalt  }
0x50: {  	_ =	shalt  }
0x51: {  	_ =	shalt  }
0x52: {  	_ =	shalt  }
0x53: {  	_ =	shalt  }
0x54: {  	_ =	shalt  }
0x55: {  	_ =	shalt  }
0x56: {  	_ =	shalt  }
0x57: {  	_ =	shalt  }
0x58: {  	_ =	shalt  }
0x59: {  	_ =	shalt  }
0x5a: {  	_ =	shalt  }
0x5b: {  	_ =	shalt  }
0x5c: {  	_ =	shalt  }
0x5d: {  	_ =	shalt  }
0x5e: {  	_ =	shalt  }
0x5f: {  	_ =	shalt  }
0x60: {  	_ =	shalt  }
0x61: {  	_ =	shalt  }
0x62: {  	_ =	shalt  }
0x63: {  	_ =	shalt  }
0x64: {  	_ =	shalt  }
0x65: {  	_ =	shalt  }
0x66: {  	_ =	shalt  }
0x67: {  	_ =	shalt  }
0x68: {  	_ =	shalt  }
0x69: {  	_ =	shalt  }
0x6a: {  	_ =	shalt  }
0x6b: {  	_ =	shalt  }
0x6c: {  	_ =	shalt  }
0x6d: {  	_ =	shalt  }
0x6e: {  	_ =	shalt  }
0x6f: {  	_ =	shalt  }
0x70: {  	_ =	shalt  }
0x71: {  	_ =	shalt  }
0x72: {  	_ =	shalt  }
0x73: {  	_ =	shalt  }
0x74: {  	_ =	shalt  }
0x75: {  	_ =	shalt  }
0x76: {  	_ =	shalt  }
0x77: {  	_ =	shalt  }
0x78: {  	_ =	shalt  }
0x79: {  	_ =	shalt  }
0x7a: {  	_ =	shalt  }
0x7b: {  	_ =	shalt  }
0x7c: {  	_ =	shalt  }
0x7d: {  	_ =	shalt  }
0x7e: {  	_ =	shalt  }
0x7f: {  	_ =	shalt  }
0x80: {  	_ =	shalt  }
0x81: {  	_ =	shalt  }
0x82: {  	_ =	shalt  }
0x83: {  	_ =	shalt  }
0x84: {  	_ =	shalt  }
0x85: {  	_ =	shalt  }
0x86: {  	_ =	shalt  }
0x87: {  	_ =	shalt  }
.Lfunc_end0:
.L_simem_size_0:
called_computation_lowered:
.L_overlay_start_0:
0x88: {  	s2 =	sld [smem:$0x3FD9]  }
0x89: {  	s3 =	sld [smem:$0x3FFE];
	_ =	sdelay $0x1  }
0x8a: {  	s1 =	srdreg.scid  }
0x8b: {  	s0 =	sand.u32 $0x1, s1  }
0x8c: {  	s17 =	sshll.u32 s0, $0xA;
	s2 =	sadd.s32 s3, s2  }
0x8d: {  	s2 =	sadd.s32 s2, s17  }
0x8e: {  	[smem:$0x3FC2] =	sst s2  }
0x8f: {  	_ = 	snop  }
0x90: {  	s2 =	sld [smem:$0x3FC9]  }
0x91: {  	s18 =	sld [smem:$0x3FC8]  }
0x92: {  	s4 =	sld [smem:$0x3FC7]  }
0x93: {  	s5 =	sld [smem:$0x3FC6]  }
0x94: {  	s6 =	sld [smem:$0x3FC4]  }
0x95: {  	s7 =	sld [smem:$0x3FD0];
	(tm) =	ssettm $0x1  }
0x96: {  	s8 =	sld [smem:$0x3FFB];
	_ =	sdelay $0x3  }
0x97: {  	_ =	strace s8  }
0x98: {  	s8 =	sld [smem:$0x3FFC];
	_ =	sdelay $0x3  }
0x99: {  	_ =	strace s8  }
0x9a: {  	s8 =	sld [smem:$0x3FFD];
	_ =	sdelay $0x3  }
0x9b: {  	_ =	strace s8  }
0x9c: {  	_ =	strace $0x8FFFFFFF  }
0x9d: {  	s19 =	sld [smem:$0x3FDB];
	_ =	sdelay $0x1  }
0x9e: {  	s9 =	simm.s32 $_scs_section_size  }
0x9f: {  	s10 =	simm.s32 $_size__tile_overlayer_lowered;
	s11 =	simm.s32 $_tile_overlayer_lowered  }
0xa0: {  	s22 =	simm.s32 $0x1BFF;
	s21 =	sshll.u32 s11, $0x1;
	s8 =	sadd.s32 s9, s19  }
0xa1: {  	s12 =	simm.s32 $0x0;
	s20 =	sshll.u32 s10, $0x1;
	s10 =	sadd.s32 s21, s8  }
0xa2: {  	[timem:s12], [sflag:s22] =	dma.local [hbm:s10], s20  }
0xa3: {  	_ =	swait.ge [sflag:s22], s20  }
0xa4: {  	s9 =	ssub.s32 $0x0, s20;
	[sflag:s22] =	ssyncset.done $0x0  }
0xa5: {  	[sflag:s22] =	ssyncadd.s32 s9;
	_ =	sdelay $0x1  }
0xa6: {  	s23 =	simm.s32 $0x1B8B  }
0xa7: {  	_ =	swait.ge [sflag:s23], $0x1  }
0xa8: {  	[sflag:s23] =	ssyncset.done $0x0  }
0xa9: {  	s25 =	simm.s32 $0x1B8E;
	s24 =	sld [smem:$0x3FFE];
	[sflag:s23] =	ssyncadd.s32 $0xFFFFFFFF  }
0xaa: {  	s26 =	simm.s32 $execute0_lowered;
	[smem:$0x3FD2] =	sst s25  }
0xab: {  	s10 =	sshll.u32 s26, $0x1;
	_ =	strace $0x80000046;
	[dreg:$0x1] =	wrdreg $0xFFFFFFFF  }
0xac: {  	s28 =	simm.s32 $_size_execute0_lowered;
	s8 =	sadd.s32 s8, s10;
	[dreg:$0x0] =	wrdreg $0x0  }
0xad: {  	s10 =	sshll.u32 s28, $0x1;
	[dreg:$0x2] =	wrdreg s8  }
0xae: {  	[dreg:$0x3] =	wrdreg s10  }
0xaf: {  	[dreg:$0x4] =	wrdreg $0xC0  }
0xb0: {  	_ =	task [dreg:s12], $0x5FFFF  }
0xb1: {  	[dreg:$0x1] =	wrdreg $0xFFFFFFFF  }
0xb2: {  	[dreg:$0x0] =	wrdreg $0x60  }
0xb3: {  	[dreg:$0x2] =	wrdreg s2  }
0xb4: {  	[dreg:$0x3] =	wrdreg s18  }
0xb5: {  	[dreg:$0x4] =	wrdreg s4  }
0xb6: {  	[dreg:$0x5] =	wrdreg s5  }
0xb7: {  	[dreg:$0x6] =	wrdreg s7  }
0xb8: {  	[dreg:$0x7] =	wrdreg s6  }
0xb9: {  	[dreg:$0x8] =	wrdreg s24  }
0xba: {  	[dreg:$0x9] =	wrdreg $0x9  }
0xbb: {  	_ =	task.clear_ibuf [dreg:s12], $0xAFFFF;
	_ =	strace $0x90000046  }
0xbc: {  	s29 =	simm.s32 $0x9;
	_ =	strace $0x80000048  }
0xbd: {  	_ =	swait.ge [sflag:s29], $0x1  }
0xbe: {  	[sflag:s29] =	ssyncadd.s32 $0xFFFFFFFF  }
0xbf: {  	_ =	strace $0x90000048  }
0xc0: {  	_ =	sfence  }
0xc1: {  	s30 =	sld [smem:$0x0];
	_ =	sdelay $0x2  }
0xc2: {  	s31 =	sshll.u32 s1, $0xD;
	s1 =	sshrl.u32 s1, $0x2  }
0xc3: {  	s3 =	sand.u32 $0x4000, s31;
	s1 =	sadd.s32 s1, s30  }
0xc4: {  	s0 =	sor.u32 s3, s0;
	s1 =	sshll.u32 s1, $0x11  }
0xc5: {  	s0 =	sor.u32 s1, s0  }
0xc6: {  	s0 =	sadd.s32 $0x8F2B, s0  }
0xc7: {  	[sflag:s0] =	ssyncadd.remote.s32 $0x1  }
0xc8: {  	_ =	sfence.sel $0xFFFF  }
0xc9: {  	[dreg:$0x0] =	wrdreg $0xFFFFFFFF;
	(pc) =	sbr.abs _section_cstart, $3  }
0xca: {  	[dreg:$0x1] =	wrdreg $0xFFFFFFFF  }
0xcb: {  	_ =	task.clear_ibuf [dreg:s12], $0x2FFFF;
	_ =	strace $0x9FFFFFFF  }
0xcc: {  	(tm) =	ssettm $0x7FFFFFFF  }
0xcd: {  	_ =	shalt  }
tec
execute0_lowered:
.L_overlay_start_1:
0x0: {  	(tag) =	ssettag $0x1  }
0x1: {  	s4 =	rddreg [dreg:$0x0]  }
0x2: {  	s5 =	rddreg [dreg:$0x1]  }
0x3: {  	s6 =	rddreg [dreg:$0x2]  }
0x4: {  	s7 =	rddreg [dreg:$0x3]  }
0x5: {  	s8 =	rddreg [dreg:$0x4]  }
0x6: {  	s2 =	rddreg [dreg:$0x5]  }
0x7: {  	s9 =	rddreg [dreg:$0x6]  }
0x8: {  	s0 =	rddreg [dreg:$0x7]  }
0x9: {  	s10 =	srdreg.scid;
	s1 =	stileid.u32  }
0xa: {  	s3 =	simm.s32 $0x0;
	s15 =	simm.s32 $0x600;
	s16 =	simm.s32 $0x800  }
0xb: {  	s17 =	simm.s32 $0x7A1400;
	s18 =	simm.s32 $0x880;
	s19 =	simm.s32 $0x2880  }
0xc: {  	s20 =	simm.s32 $0x8880;
	s21 =	simm.s32 $0x0;
	s10 =	sand.u32 $0x1, s10  }
0xd: {  	s11 =	sshll.u32 s1, $0x1;
	[smem:$0x7FF] =	sst s3;
	s12 =	sshrl.u32 s1, $0x2  }
0xe: {  	s11 =	sor.u32 s10, s11;
	_ =	strace $0x80000047;
	s14 =	sshll.u32 s12, $0xC  }
0xf: {  	s10 =	ssub.s32 $0x2, s10;
	s12 =	sshll.u32 s12, $0xA;
	s13 =	sshll.u32 s11, $0x7  }
0x10: {  	s11 =	sshll.u32 s11, $0xD;
	s31 =	sshrl.u32 s10, $0x1;
	s13 =	sand.u32 $0x380, s13  }
0x11: {  	s9 =	sadd.s32 s11, s9;
	s10 =	ssub.s32 s10, s31;
	s30 =	sor.u32 s14, s13  }
.Ltmp0:
0x12: {  	s12 =	sor.u32 s12, s13;
	s9 =	sadd.s32 $0x400, s9;
	(pc) =	sbr.rel .LBB2_1-.Ltmp0, $4  }
0x13: {  	v0 =	vlaneseq.u32;
	s10 =	smax.u32 s10, $0x1;
	s13 =	simm.s32 $0x3;
	s11 =	sshrl.u32 s30, $0x3  }
0x14: {  	v0 =	vmul.u32 $0x80, v0;
	s14 =	simm.s32 $0x200;
	s12 =	sshrl.u32 s12, $0x3;
	s4 =	sadd.s32 s4, s11  }
0x15: {  	v1 =	vimm.s32 $0x1;
	s5 =	sadd.s32 s5, s11;
	s6 =	sadd.s32 s6, s11;
	s7 =	sadd.s32 s7, s11  }
0x16: {  	v2 =	vor.u32 $0x800, v0;
	v3 =	vor.u32 $0x1000, v0;
	v4 =	vor.u32 $0x1800, v0;
	s8 =	sadd.s32 s8, s12;
	s11 =	simm.s32 $0x80;
	s12 =	simm.s32 $0x400  }
.LBB2_13:
0x17: {  	s21 =	sadd.s32 $0x1, s21  }
0x18: {  	p0 =	sne.s32 s21, s10  }
.Ltmp1:
0x19: {  	_ = 	snop;
	(pc) =	sbr.rel @!p0 .LBB2_14-.Ltmp1, $4  }
0x1a: {  	[hbm4b:s9+s3] =	stream.linear.scatter [tilespmem:s20], [sflag:$0x3], $0x10000, $0x38;
	[tilespmem:$0x18880] =	vst v63  }
0x1b: {  	_ =	swait.ge [sflag:s13], $0x10000  }
0x1c: {  	[sflag:s13] =	ssyncset.done $0x0  }
0x1d: {  	[sflag:s13] =	ssyncadd.s32 $0xFFFF0000  }
.LBB2_1:
0x1e: {  	[tilespmem:s3], [sflag:$0x3] =	stream.strided.gather [hbm4b:s4+s11], $0x200, s12, s11, $0x38;
	[tilespmem:$0x18880] =	vst v63  }
0x1f: {  	_ =	swait.ge [sflag:s13], $0x200  }
0x20: {  	[sflag:s13] =	ssyncset.done $0x0  }
0x21: {  	[sflag:s13] =	ssyncadd.s32 $0xFFFFFE00  }
0x22: {  	[tilespmem:s14], [sflag:$0x3] =	stream.strided.gather [hbm4b:s5+s11], $0x200, s12, s11, $0x38;
	[tilespmem:$0x18880] =	vst v63  }
0x23: {  	_ =	swait.ge [sflag:s13], $0x200  }
0x24: {  	[sflag:s13] =	ssyncset.done $0x0  }
0x25: {  	[sflag:s13] =	ssyncadd.s32 $0xFFFFFE00  }
0x26: {  	[tilespmem:s12], [sflag:$0x3] =	stream.strided.gather [hbm4b:s6+s11], $0x200, s12, s11, $0x38;
	[tilespmem:$0x18880] =	vst v63  }
0x27: {  	_ =	swait.ge [sflag:s13], $0x200  }
0x28: {  	[sflag:s13] =	ssyncset.done $0x0  }
0x29: {  	[sflag:s13] =	ssyncadd.s32 $0xFFFFFE00  }
0x2a: {  	[tilespmem:s15], [sflag:$0x3] =	stream.strided.gather [hbm4b:s7+s11], $0x200, s12, s11, $0x38;
	[tilespmem:$0x18880] =	vst v63  }
0x2b: {  	_ =	swait.ge [sflag:s13], $0x200  }
0x2c: {  	[sflag:s13] =	ssyncset.done $0x0  }
0x2d: {  	[sflag:s13] =	ssyncadd.s32 $0xFFFFFE00  }
0x2e: {  	[tilespmem:s16], [sflag:$0x3] =	stream.linear.gather [hbm4b:s8+s3], $0x80, $0x38;
	[tilespmem:$0x18880] =	vst v63  }
0x2f: {  	_ =	swait.ge [sflag:s13], $0x80  }
0x30: {  	[sflag:s13] =	ssyncset.done $0x0  }
0x31: {  	[sflag:s13] =	ssyncadd.s32 $0xFFFFFF80  }
0x32: {  	v5 =	vld [tilespmem:$0x800];
	_ =	sdelay $0x1  }
0x33: {  	v6 =	vld.msk [tilespmem:s3+$0x0], $0xffff;
	_ =	sdelay $0x2  }
0x34: {  	(v2sf) =	vpush v5, $0x0;
	_ =	sdelay $0x1  }
0x35: {  	(v2sf) =	vpush v6, $0x0;
	_ =	sdelay $0xc  }
0x36: {  	s22 =	spop (v2sf)  }
0x37: {  	p0 =	slt.s32 s22, $0x2  }
.Ltmp2:
0x38: {  	s23 =	spop (v2sf);
	(pc) =	sbr.rel @p0 .LBB2_3-.Ltmp2, $4  }
0x39: {  	s23 =	sshll.u32 s23, $0x7  }
0x3a: {  	s23 =	sand.u32 $0x1FFFFF80, s23  }
0x3b: {  	s23 =	sadd.s32 s2, s23  }
0x3c: {  	[tilespmem:s18], [sflag:$0x1] =	stream.strided.gather [hbm4b:s23+s12], $0x2000, s17, s12, $0x38;
	[tilespmem:$0x18880] =	vst v63  }
0x3d: {  	_ =	sdelay $0x3  }
0x3e: {  	v5 =	vld.idx.msk [tilespmem:v1+s3+$0x0], $0xffff;
	_ =	sdelay $0x4  }
0x3f: {  	(v2sf) =	vpush v5, $0x0;
	_ =	sdelay $0xe  }
.Ltmp3:
0x40: {  	s23 =	spop (v2sf);
	(pc) =	sbr.rel .LBB2_4-.Ltmp3, $4  }
0x41: {  	s23 =	sshll.u32 s23, $0x7  }
0x42: {  	s23 =	sand.u32 $0x1FFFFF80, s23  }
0x43: {  	s23 =	sadd.s32 s2, s23  }
0x44: {  	[tilespmem:s19], [sflag:$0x2] =	stream.strided.gather [hbm4b:s23+s12], $0x2000, s17, s12, $0x38;
	[tilespmem:$0x18880] =	vst v63  }
.LBB2_3:
0x45: {  	p0 =	sne.s32 s22, $0x1  }
.Ltmp4:
0x46: {  	_ = 	snop;
	(pc) =	sbr.rel @p0 .LBB2_13-.Ltmp4, $1  }
0x47: {  	_ =	sdelay $0x3  }
.LBB2_4:
.Ltmp5:
0x48: {  	(pc) =	sbr.rel .LBB2_5-.Ltmp5, $2  }
0x49: {  	_ =	sdelay $0x2  }
0x4a: {  	s23 =	simm.s32 $0x0  }
.LBB2_7:
0x4b: {  	s28 =	smov.u32 s25  }
.LBB2_11:
0x4c: {  	_ =	sdelay $0x2  }
0x4d: {  	[tilespmem:s28+$0x10] =	vst @p0 v6  }
0x4e: {  	v5 =	vld.idx.msk [tilespmem:v5+s14+$0x0], $0xffff;
	_ =	sdelay $0x4  }
0x4f: {  	(v2sf) =	vpush v5, $0x0;
	_ =	sdelay $0xe  }
0x50: {  	s26 =	spop (v2sf)  }
0x51: {  	s26 =	sand.u32 $0x7F, s26  }
0x52: {  	v5 =	vor.u32 s26, v0;
	_ =	sdelay $0x4  }
0x53: {  	v5 =	vld.idx.msk [tilespmem:v5+s24+$0x0], $0xffff  }
0x54: {  	v6 =	vor.u32 s26, v2;
	_ =	sdelay $0x1  }
0x55: {  	s28 =	sadd.s32 @p0 $0x80, s28  }
0x56: {  	s25 =	smov.u32 @p0 s28  }
0x57: {  	[tilespmem:s25+$0xFFFFFFE0] =	vst v5  }
0x58: {  	v5 =	vld.idx.msk [tilespmem:v6+s24+$0x0], $0xffff  }
0x59: {  	v6 =	vor.u32 s26, v3;
	_ =	sdelay $0x3  }
0x5a: {  	[tilespmem:s25+$0xFFFFFFF0] =	vst v5  }
0x5b: {  	v5 =	vld.idx.msk [tilespmem:v6+s24+$0x0], $0xffff  }
0x5c: {  	v6 =	vor.u32 s26, v4;
	_ =	sdelay $0x3  }
0x5d: {  	[tilespmem:s25+$0x0] =	vst v5  }
0x5e: {  	v5 =	vld.idx.msk [tilespmem:v6+s24+$0x0], $0xffff;
	_ =	sdelay $0x4  }
0x5f: {  	[tilespmem:s25+$0x10] =	vst v5  }
.LBB2_12:
0x60: {  	s23 =	sadd.s32 $0x1, s23  }
0x61: {  	p0 =	sne.s32 s23, s22  }
.Ltmp6:
0x62: {  	_ = 	snop;
	(pc) =	sbr.rel @!p0 .LBB2_13-.Ltmp6, $1  }
0x63: {  	_ =	sdelay $0x3  }
.LBB2_5:
0x64: {  	s24 =	sadd.s32 $0x2, s23  }
0x65: {  	s25 =	sand.u32 $0x1, s23;
	p1 =	sge.s32 s24, s22  }
0x66: {  	p0 =	sne.s32 @!p1 s25, $0x0  }
0x67: {  	p2 =	por p0, p1  }
0x68: {  	v5 =	vmov @!p2 s24  }
0x69: {  	v5 =	vand.u32 @!p2 $0xFFFFFFFE, v5  }
0x6a: {  	v5 =	vbroadcast @!p2 v5, $0x0;
	_ =	sdelay $0x4  }
0x6b: {  	s26 =	simm.s32 @!p2 $0x0  }
0x6c: {  	v5 =	vld.idx.msk @!p2 [tilespmem:v5+s26+$0x0], $0xffff;
	_ =	sdelay $0x4  }
0x6d: {  	(v2sf) =	vpush @!p2 v5, $0x0;
	_ =	sdelay $0xd  }
0x6e: {  	p0 =	seq.s32 s25, $0x1  }
0x6f: {  	p1 =	por !p0, p1;
	s26 =	spop @!p2 (v2sf)  }
0x70: {  	s25 =	sshll.u32 @!p2 s24, $0xD;
	v5 =	vmov @!p1 s24;
	s26 =	sshll.u32 @!p2 s26, $0x7  }
0x71: {  	s28 =	simm.s32 @!p2 $0x400;
	s25 =	sand.u32 @!p2 $0x4000, s25;
	s26 =	sand.u32 @!p2 $0x1FFFFF80, s26  }
0x72: {  	s29 =	simm.s32 @!p2 $0x7A1400;
	s25 =	sor.u32 @!p2 $0x880, s25;
	s26 =	sadd.s32 @!p2 s2, s26  }
0x73: {  	[tilespmem:s25], [sflag:$0x1] =	stream.strided.gather @!p2 [hbm4b:s26+s28], $0x2000, s29, s28, $0x38;
	[tilespmem:$0x18880] =	vst v63  }
0x74: {  	s25 =	simm.s32 @!p1 $0x0  }
0x75: {  	v5 =	vld.idx.msk @!p1 [tilespmem:v5+s25+$0x0], $0xffff;
	_ =	sdelay $0x4  }
0x76: {  	(v2sf) =	vpush @!p1 v5, $0x0;
	_ =	sdelay $0xe  }
0x77: {  	s24 =	sshll.u32 @!p1 s24, $0xD;
	s25 =	spop @!p1 (v2sf)  }
0x78: {  	s24 =	sand.u32 @!p1 $0x6000, s24;
	s25 =	sshll.u32 @!p1 s25, $0x7  }
0x79: {  	s24 =	sor.u32 @!p1 $0x880, s24;
	s25 =	sand.u32 @!p1 $0x1FFFFF80, s25  }
0x7a: {  	s26 =	simm.s32 @!p1 $0x400;
	s28 =	simm.s32 @!p1 $0x7A1400;
	s25 =	sadd.s32 @!p1 s2, s25  }
0x7b: {  	[tilespmem:s24], [sflag:$0x2] =	stream.strided.gather @!p1 [hbm4b:s25+s26], $0x2000, s28, s26, $0x38;
	[tilespmem:$0x18880] =	vst v63  }
0x7c: {  	v5 =	vmov s23;
	s24 =	simm.s32 $0x2  }
0x7d: {  	s24 =	simm.s32 @!p0 $0x1  }
0x7e: {  	_ =	swait.ge [sflag:s24], $0x2000  }
0x7f: {  	[sflag:s24] =	ssyncset.done $0x0  }
0x80: {  	[sflag:s24] =	ssyncadd.s32 $0xFFFFE000  }
0x81: {  	v6 =	vld.idx.msk [tilespmem:v5+s12+$0x0], $0xffff  }
0x82: {  	v5 =	vld.idx.msk [tilespmem:v5+s15+$0x0], $0xffff;
	_ =	sdelay $0x3  }
0x83: {  	(v2sf) =	vpush v6, $0x0  }
0x84: {  	(v2sf) =	vpush v5, $0x0;
	_ =	sdelay $0xd  }
0x85: {  	s29 =	spop (v2sf)  }
0x86: {  	s26 =	spop (v2sf)  }
0x87: {  	p0 =	sge.s32 s29, s26  }
.Ltmp7:
0x88: {  	_ = 	snop;
	(pc) =	sbr.rel @p0 .LBB2_12-.Ltmp7, $1  }
0x89: {  	_ =	sdelay $0x3  }
0x8a: {  	s28 =	sadd.s32 $0x1, s29  }
0x8b: {  	p1 =	sne.s32 s26, s28  }
.Ltmp8:
0x8c: {  	_ = 	snop;
	(pc) =	sbr.rel @!p1 .LBB2_7-.Ltmp8, $4  }
0x8d: {  	_ = 	snop  }
0x8e: {  	s24 =	sshll.u32 s23, $0xD;
	s25 =	sshll.u32 s29, $0x9  }
0x8f: {  	s24 =	sand.u32 $0x6000, s24;
	s25 =	sshra.s32 s25, $0x2  }
0x90: {  	v5 =	vmov s29;
	p0 =	por $0x0, $0x0;
	s24 =	sor.u32 $0x880, s24;
	s25 =	sadd.s32 $0x88A0, s25  }
0x91: {  	_ =	sdelay $0x3  }
0x92: {  	v5 =	vld.idx.msk [tilespmem:v5+s14+$0x0], $0xffff;
	_ =	sdelay $0x4  }
0x93: {  	(v2sf) =	vpush v5, $0x0;
	_ =	sdelay $0xe  }
0x94: {  	s29 =	spop (v2sf)  }
0x95: {  	s29 =	sand.u32 $0x7F, s29  }
0x96: {  	v5 =	vor.u32 s29, v0;
	_ =	sdelay $0x4  }
0x97: {  	v5 =	vld.idx.msk [tilespmem:v5+s24+$0x0], $0xffff  }
0x98: {  	v6 =	vor.u32 s29, v2;
	_ =	sdelay $0x3  }
0x99: {  	[tilespmem:s25+$0xFFFFFFE0] =	vst v5  }
0x9a: {  	v5 =	vld.idx.msk [tilespmem:v6+s24+$0x0], $0xffff  }
0x9b: {  	v6 =	vor.u32 s29, v3;
	_ =	sdelay $0x3  }
0x9c: {  	[tilespmem:s25+$0xFFFFFFF0] =	vst v5  }
0x9d: {  	v5 =	vld.idx.msk [tilespmem:v6+s24+$0x0], $0xffff  }
0x9e: {  	v6 =	vor.u32 s29, v4;
	_ =	sdelay $0x2  }
0x9f: {  	s29 =	sadd.s32 $0x1, s28  }
0xa0: {  	p1 =	sne.s32 s26, s29;
	[tilespmem:s25+$0x0] =	vst v5  }
.Ltmp9:
0xa1: {  	v6 =	vld.idx.msk [tilespmem:v6+s24+$0x0], $0xffff;
	(pc) =	sbr.rel @!p1 .LBB2_9-.Ltmp9, $2  }
0xa2: {  	v5 =	vmov s28;
	_ =	sdelay $0x2  }
0xa3: {  	p0 =	por $0x1, $0x1;
	s28 =	smov.u32 s25  }
.LBB2_10:
0xa4: {  	[tilespmem:s28+$0x10] =	vst v6;
	s28 =	sadd.s32 $0x80, s28;
	s30 =	smov.u32 s29;
	s29 =	sadd.s32 $0x1, s29  }
0xa5: {  	p1 =	sne.s32 s26, s29;
	v5 =	vld.idx.msk [tilespmem:v5+s14+$0x0], $0xffff;
	_ =	sdelay $0x5  }
0xa6: {  	(v2sf) =	vpush v5, $0x0;
	_ =	sdelay $0xe  }
0xa7: {  	s31 =	spop (v2sf)  }
0xa8: {  	s31 =	sand.u32 $0x7F, s31  }
0xa9: {  	v5 =	vor.u32 s31, v0;
	_ =	sdelay $0x4  }
0xaa: {  	v5 =	vld.idx.msk [tilespmem:v5+s24+$0x0], $0xffff;
	_ =	sdelay $0x1  }
0xab: {  	v6 =	vor.u32 s31, v2;
	_ =	sdelay $0x3  }
0xac: {  	[tilespmem:s28+$0xFFFFFFE0] =	vst v5  }
0xad: {  	v5 =	vld.idx.msk [tilespmem:v6+s24+$0x0], $0xffff;
	_ =	sdelay $0x1  }
0xae: {  	v6 =	vor.u32 s31, v3;
	_ =	sdelay $0x3  }
0xaf: {  	[tilespmem:s28+$0xFFFFFFF0] =	vst v5  }
0xb0: {  	v5 =	vld.idx.msk [tilespmem:v6+s24+$0x0], $0xffff;
	_ =	sdelay $0x1  }
0xb1: {  	v6 =	vor.u32 s31, v4;
	_ =	sdelay $0x2  }
.Ltmp10:
0xb2: {  	(pc) =	sbr.rel @p1 .LBB2_10-.Ltmp10, $3  }
0xb3: {  	[tilespmem:s28+$0x0] =	vst v5  }
0xb4: {  	v6 =	vld.idx.msk [tilespmem:v6+s24+$0x0], $0xffff;
	_ =	sdelay $0x1  }
0xb5: {  	v5 =	vmov s30  }
.Ltmp11:
0xb6: {  	_ = 	snop;
	(pc) =	sbr.rel .LBB2_11-.Ltmp11, $1  }
0xb7: {  	_ =	sdelay $0x3  }
.LBB2_9:
.Ltmp12:
0xb8: {  	(pc) =	sbr.rel .LBB2_11-.Ltmp12, $2  }
0xb9: {  	_ =	sdelay $0x2  }
0xba: {  	s28 =	smov.u32 s25  }
.LBB2_14:
0xbb: {  	_ =	sfence.sel $0x180000  }
0xbc: {  	[bflag:$0x0] =	sbarrier.arrive $0xFFFF  }
0xbd: {  	p0 =	sne.s32 s1, $0x0;
	_ =	strace $0x90000047  }
0xbe: {  	s0 =	sadd.s32 @!p0 $0x100000, s0;
	[bflag:$0x2] =	sbarrier.arrive $0xFFFF  }
0xbf: {  	[sflag:s0] =	ssyncadd.tile.s32 @!p0 $0x1;
	_ =	shalt  }
.Lfunc_end2:
_tile_overlayer_lowered:
.L_overlay_start_2:
0xc0: {  	(tag) =	ssettag $0x2  }
0xc1: {  	s0 =	rddreg [dreg:$0x0];
	s2 =	stileid.u32  }
0xc2: {  	s1 =	rddreg [dreg:$0x1];
	p0 =	sne.s32 s2, $0x0  }
0xc3: {  	s3 =	rddreg [dreg:$0x2];
	[bflag:$0x3] =	sbarrier.arrive $0xFFFF;
	s2 =	simm.s32 @!p0 $0x1C03  }
0xc4: {  	[timem:s3], [sflag:s2] =	dma.local @!p0 [hbm:s0], s1  }
0xc5: {  	s0 =	simm.s32 @!p0 $0x3  }
0xc6: {  	_ =	swait.ge @!p0 [sflag:s0], s1  }
0xc7: {  	s1 =	ssub.s32 @!p0 $0x0, s1;
	[sflag:s0] =	ssyncset.done @!p0 $0x0  }
0xc8: {  	[sflag:s0] =	ssyncadd.s32 @!p0 s1  }
0xc9: {  	[bflag:$0x3] =	sbarrier.arrive $0xFFFF  }
0xca: {  	_ =	shalt  }

</sc_bundles>
